<compile_context>
chip_gen: v7x
topology: tpu7x:2x2x1
jax: 0.10.2.dev20260603
libtpu: 0.0.44.dev20260713+nightly
codegen_flags: <defaults>
</compile_context>

<pallas_src>
import functools

import jax
import jax.numpy as jnp
from jax import lax
from jax.experimental import pallas as pl
from jax.experimental.pallas import tpu as pltpu
from jax.experimental.pallas import tpu_sc as plsc

N = 10000
E = 320000
MH = 32
HID = 128
H2 = 2 * HID
OUT = 128

NW = 32
SUB = 100
NSUB = 4
CHO = SUB * NSUB
EPW = E // NW
NCHO = EPW // CHO
RPW = EPW // SUB
RPS = N // 16

F32 = jnp.float32



def _node_prep_body(h_ref, W1, b1, WA, bA, WB, bB, WP, bP,
                    hA_ref, hB_ref, xP_ref):
    u = jnp.maximum(
        jnp.dot(h_ref[...], W1[...], preferred_element_type=F32) + b1[...], 0.0)
    hA_ref[...] = jnp.dot(u, WA[...], preferred_element_type=F32) + bA[...]
    hB_ref[...] = jnp.dot(u, WB[...], preferred_element_type=F32) + bB[...]
    xP_ref[...] = jnp.dot(u, WP[...], preferred_element_type=F32) + bP[...]


def _edge_main_body(e_ref, gA_ref, gB_ref, w_ref, eW1, eb1, De, de, Me, ce,
                    W2, b2, eout_ref, rw_ref):
    u = jnp.maximum(
        jnp.dot(e_ref[...], eW1[...], preferred_element_type=F32) + eb1[...], 0.0)
    epre = jnp.dot(u, De[...], preferred_element_type=F32) + de[...]
    r = jnp.maximum(epre + gA_ref[...] + gB_ref[...], 0.0)
    t = jnp.maximum(jnp.dot(r, Me[...], preferred_element_type=F32) + ce[...], 0.0)
    eout_ref[...] = jnp.dot(t, W2[...], preferred_element_type=F32) + b2[...]
    wcol = w_ref[...]
    rw = r * wcol
    pad = jnp.zeros((rw.shape[0], 15), F32)
    rw_ref[...] = jnp.concatenate([rw, wcol, pad], axis=-1)


def _node_out_body(xP_ref, g0_ref, g1_ref, Q, qv, Mn, cn, W2, b2, out_ref):
    g = g0_ref[...] + g1_ref[...]
    G = g[:, :MH]
    sw = g[:, MH:MH + 1]
    z = xP_ref[...] + jnp.dot(G, Q[...], preferred_element_type=F32) + sw * qv[...]
    t = jnp.maximum(
        jnp.dot(jnp.maximum(z, 0.0), Mn[...], preferred_element_type=F32) + cn[...],
        0.0)
    out_ref[...] = jnp.dot(t, W2[...], preferred_element_type=F32) + b2[...]


def _full(shape):
    nd = len(shape)
    return pl.BlockSpec(shape, lambda i, _nd=nd: (0,) * _nd)


def _rows(blk, width):
    return pl.BlockSpec((blk, width), lambda i: (i, 0))



_MESH = plsc.VectorSubcoreMesh(core_axis_name="c", subcore_axis_name="s")
_SC_PARAMS = pltpu.CompilerParams(use_tc_tiling_on_sc=False)


@functools.partial(
    pl.kernel,
    mesh=_MESH,
    out_type=(jax.ShapeDtypeStruct((E, MH), F32),
              jax.ShapeDtypeStruct((E, MH), F32)),
    scratch_types=[
        pltpu.VMEM((RPW // NCHO, SUB), jnp.int32),
        pltpu.VMEM((RPW // NCHO, SUB), jnp.int32),
        pltpu.VMEM((CHO, MH), F32),
        pltpu.VMEM((CHO, MH), F32),
        pltpu.SemaphoreType.DMA,
        pltpu.SemaphoreType.DMA,
    ],
    compiler_params=_SC_PARAMS,
)
def _sc_gather(hA_hbm, hB_hbm, src3_hbm, dst3_hbm, gA_hbm, gB_hbm,
               ibs, ibd, bufA, bufB, semA, semB):
    c = lax.axis_index("c")
    s = lax.axis_index("s")
    wid = s * 2 + c

    def body(j, carry):
        erow = wid * RPW + j * NSUB
        base = wid * EPW + j * CHO
        pltpu.sync_copy(src3_hbm.at[pl.ds(erow, NSUB)], ibs)
        pltpu.sync_copy(dst3_hbm.at[pl.ds(erow, NSUB)], ibd)
        cps = []
        for k in range(NSUB):
            cps.append(pltpu.async_copy(
                hA_hbm.at[ibs.at[k]], bufA.at[pl.ds(k * SUB, SUB)], semA))
            cps.append(pltpu.async_copy(
                hB_hbm.at[ibd.at[k]], bufB.at[pl.ds(k * SUB, SUB)], semB))
        for cp in cps:
            cp.wait()
        pltpu.sync_copy(bufA, gA_hbm.at[pl.ds(base, CHO)])
        pltpu.sync_copy(bufB, gB_hbm.at[pl.ds(base, CHO)])
        return carry

    lax.fori_loop(0, NCHO, body, 0)


@functools.partial(
    pl.kernel,
    mesh=_MESH,
    out_type=jax.ShapeDtypeStruct((2 * N, 48), F32),
    scratch_types=[
        pltpu.VMEM((RPW // NCHO, SUB), jnp.int32),
        pltpu.VMEM((CHO, 48), F32),
        pltpu.VMEM_SHARED((N, 48), F32),
        pltpu.SemaphoreType.DMA,
    ],
    compiler_params=_SC_PARAMS,
)
def _sc_scatter(rw_hbm, dst3_hbm, zero_hbm, out_hbm, ibd, buf, shared, sem):
    c = lax.axis_index("c")
    s = lax.axis_index("s")
    wid = s * 2 + c
    pltpu.sync_copy(zero_hbm.at[pl.ds(s * RPS, RPS)],
                    shared.at[pl.ds(s * RPS, RPS)])
    plsc.subcore_barrier()

    def body(j, carry):
        erow = wid * RPW + j * NSUB
        base = wid * EPW + j * CHO
        pltpu.sync_copy(dst3_hbm.at[pl.ds(erow, NSUB)], ibd)
        pltpu.sync_copy(rw_hbm.at[pl.ds(base, CHO)], buf)
        cps = []
        for k in range(NSUB):
            cps.append(pltpu.async_copy(
                buf.at[pl.ds(k * SUB, SUB)], shared.at[ibd.at[k]], sem,
                add=True))
        for cp in cps:
            cp.wait()
        return carry

    lax.fori_loop(0, NCHO, body, 0)
    plsc.subcore_barrier()
    pltpu.sync_copy(shared.at[pl.ds(s * RPS, RPS)],
                    out_hbm.at[pl.ds(c * N + s * RPS, RPS)])



def kernel(h, e, edge_index, w,
           ne_W1, ne_b1, ne_W2, ne_b2,
           ee_W1, ee_b1, ee_W2, ee_b2,
           pe_W1, pe_b1, pe_W2, pe_b2,
           pn_W1, pn_b1, pn_W2, pn_b2,
           nd_W1, nd_b1, nd_W2, nd_b2,
           ed_W1, ed_b1, ed_W2, ed_b2):
    src = edge_index[0].astype(jnp.int32)
    dst = edge_index[1].astype(jnp.int32)
    src3 = src.reshape(E // SUB, SUB)
    dst3 = dst.reshape(E // SUB, SUB)
    w2d = w[:, None].astype(F32)

    S_e = pe_W1[:HID] + pe_W1[HID:2 * HID]
    A = pe_W1[2 * HID:3 * HID] + pe_W1[3 * HID:4 * HID]
    B = pe_W1[4 * HID:5 * HID] + pe_W1[5 * HID:6 * HID]
    P = pn_W1[:HID] + pn_W1[HID:2 * HID]
    Rp = pn_W1[2 * HID:]

    WA = ne_W2 @ A
    bA = (ne_b2 @ A)[None, :]
    WB = ne_W2 @ B
    bB = (ne_b2 @ B)[None, :]
    WP = ne_W2 @ P
    bP = (ne_b2 @ P + pn_b1)[None, :]

    De = ee_W2 @ S_e
    de = (ee_b2 @ S_e + pe_b1)[None, :]

    Me = pe_W2 @ ed_W1
    ce = (pe_b2 @ ed_W1 + ed_b1)[None, :]
    Q = pe_W2 @ Rp
    qv = (pe_b2 @ Rp)[None, :]
    Mn = pn_W2 @ nd_W1
    cn = (pn_b2 @ nd_W1 + nd_b1)[None, :]

    ne_b1r = ne_b1[None, :]
    ee_b1r = ee_b1[None, :]
    nd_b2r = nd_b2[None, :]
    ed_b2r = ed_b2[None, :]

    BN = 1000
    hA, hB, xP = pl.pallas_call(
        _node_prep_body,
        grid=(N // BN,),
        in_specs=[_rows(BN, HID), _full((HID, MH)), _full((1, MH)),
                  _full((MH, MH)), _full((1, MH)), _full((MH, MH)),
                  _full((1, MH)), _full((MH, MH)), _full((1, MH))],
        out_specs=[_rows(BN, MH)] * 3,
        out_shape=[jax.ShapeDtypeStruct((N, MH), F32)] * 3,
    )(h, ne_W1, ne_b1r, WA, bA, WB, bB, WP, bP)

    gA, gB = _sc_gather(hA, hB, src3, dst3)

    BM = 2000
    e_out, rw48 = pl.pallas_call(
        _edge_main_body,
        grid=(E // BM,),
        in_specs=[_rows(BM, 16), _rows(BM, MH), _rows(BM, MH), _rows(BM, 1),
                  _full((16, MH)), _full((1, MH)),
                  _full((MH, MH)), _full((1, MH)),
                  _full((MH, MH)), _full((1, MH)),
                  _full((MH, OUT)), _full((1, OUT))],
        out_specs=[_rows(BM, OUT), _rows(BM, 48)],
        out_shape=[jax.ShapeDtypeStruct((E, OUT), F32),
                   jax.ShapeDtypeStruct((E, 48), F32)],
    )(e, gA, gB, w2d, ee_W1, ee_b1r, De, de, Me, ce, ed_W2, ed_b2r)

    zero48 = jnp.zeros((N, 48), F32)
    gp = _sc_scatter(rw48, dst3, zero48)

    h_out = pl.pallas_call(
        _node_out_body,
        grid=(N // BN,),
        in_specs=[_rows(BN, MH),
                  pl.BlockSpec((BN, 48), lambda i: (i, 0)),
                  pl.BlockSpec((BN, 48), lambda i: (i + N // BN, 0)),
                  _full((MH, MH)), _full((1, MH)),
                  _full((MH, MH)), _full((1, MH)),
                  _full((MH, OUT)), _full((1, OUT))],
        out_specs=_rows(BN, OUT),
        out_shape=jax.ShapeDtypeStruct((N, OUT), F32),
    )(xP, gp, gp, Q, qv, Mn, cn, nd_W2, nd_b2r)

    return (h_out, e_out)

# --- scband reference (transcript-rebuilt; emitter-appended) ---
"""Pipeline reference for scband-encode-process-decode-72911364817081 (READ-ONLY COPY).

The authoritative reference and input builder live on the scoring server;
editing this copy changes nothing except your own understanding.
"""

import jax, jax.numpy as jnp
import numpy as np

N = 10000
E = 320000
IN_NODE = 128
IN_EDGE = 16
HIDDEN = 128
OUT = 128
MH = 32
H2 = 2 * HIDDEN  # residual_stream cat width


def mlp(x, W1, b1, W2, b2):
    return jnp.dot(jax.nn.relu(jnp.dot(x, W1) + b1), W2) + b2


def setup_inputs(seed: int = 0) -> dict:
    key = jax.random.key(seed)
    ks = jax.random.split(key, 32)

    def init(k, shape):
        return (jax.random.normal(k, shape, dtype=jnp.float32) * 0.05)

    inp = {}
    inp['h'] = jax.random.normal(ks[0], (N, IN_NODE), dtype=jnp.float32)
    inp['e'] = jax.random.normal(ks[1], (E, IN_EDGE), dtype=jnp.float32)
    inp['edge_index'] = jax.random.randint(ks[2], (2, E), 0, N, dtype=jnp.int64) if jax.config.jax_enable_x64 else jax.random.randint(ks[2], (2, E), 0, N, dtype=jnp.int32)
    inp['w'] = jax.random.uniform(ks[3], (E,), dtype=jnp.float32)
    # node encoder: [IN_NODE, MH, HIDDEN]
    inp['ne_W1'] = init(ks[4], (IN_NODE, MH)); inp['ne_b1'] = jnp.zeros((MH,), jnp.float32)
    inp['ne_W2'] = init(ks[5], (MH, HIDDEN)); inp['ne_b2'] = jnp.zeros((HIDDEN,), jnp.float32)
    # edge encoder: [IN_EDGE, MH, HIDDEN]
    inp['ee_W1'] = init(ks[6], (IN_EDGE, MH)); inp['ee_b1'] = jnp.zeros((MH,), jnp.float32)
    inp['ee_W2'] = init(ks[7], (MH, HIDDEN)); inp['ee_b2'] = jnp.zeros((HIDDEN,), jnp.float32)
    # processor edge MLP: [3*H2, MH, H2]
    inp['pe_W1'] = init(ks[8], (3 * H2, MH)); inp['pe_b1'] = jnp.zeros((MH,), jnp.float32)
    inp['pe_W2'] = init(ks[9], (MH, H2)); inp['pe_b2'] = jnp.zeros((H2,), jnp.float32)
    # processor node MLP: [2*H2, MH, H2]
    inp['pn_W1'] = init(ks[10], (2 * H2, MH)); inp['pn_b1'] = jnp.zeros((MH,), jnp.float32)
    inp['pn_W2'] = init(ks[11], (MH, H2)); inp['pn_b2'] = jnp.zeros((H2,), jnp.float32)
    # node decoder: [H2, MH, OUT]
    inp['nd_W1'] = init(ks[12], (H2, MH)); inp['nd_b1'] = jnp.zeros((MH,), jnp.float32)
    inp['nd_W2'] = init(ks[13], (MH, OUT)); inp['nd_b2'] = jnp.zeros((OUT,), jnp.float32)
    # edge decoder: [H2, MH, OUT]
    inp['ed_W1'] = init(ks[14], (H2, MH)); inp['ed_b1'] = jnp.zeros((MH,), jnp.float32)
    inp['ed_W2'] = init(ks[15], (MH, OUT)); inp['ed_b2'] = jnp.zeros((OUT,), jnp.float32)
    return inp


def reference(h, e, edge_index, w,
              ne_W1, ne_b1, ne_W2, ne_b2,
              ee_W1, ee_b1, ee_W2, ee_b2,
              pe_W1, pe_b1, pe_W2, pe_b2,
              pn_W1, pn_b1, pn_W2, pn_b2,
              nd_W1, nd_b1, nd_W2, nd_b2,
              ed_W1, ed_b1, ed_W2, ed_b2):
    # encode
    h_input = mlp(h, ne_W1, ne_b1, ne_W2, ne_b2)
    e_input = mlp(e, ee_W1, ee_b1, ee_W2, ee_b2)
    h_hidden = h_input
    e_hidden = e_input
    # recurrent_steps = 1, residual_stream = True
    h_cat = jnp.concatenate([h_hidden, h_input], axis=-1)  # [N, H2]
    e_cat = jnp.concatenate([e_hidden, e_input], axis=-1)  # [E, H2]
    # interaction-network processor
    src = edge_index[0]
    dst = edge_index[1]
    edge_in = jnp.concatenate([e_cat, jnp.take(h_cat, src, axis=0), jnp.take(h_cat, dst, axis=0)], axis=-1)
    e_hidden = mlp(edge_in, pe_W1, pe_b1, pe_W2, pe_b2)  # [E, H2]
    agg = jax.ops.segment_sum(e_hidden * w[:, None], dst, num_segments=N)  # [N, H2]
    h_hidden = mlp(jnp.concatenate([h_cat, agg], axis=-1), pn_W1, pn_b1, pn_W2, pn_b2)  # [N, H2]
    # decode
    h_out = mlp(h_hidden, nd_W1, nd_b1, nd_W2, nd_b2)
    e_out = mlp(e_hidden, ed_W1, ed_b1, ed_W2, ed_b2)
    return (h_out, e_out)

if __name__ == "__main__":
    import jax
    _d = setup_inputs()
    print(jax.jit(kernel)(*tuple(_d.values())))

</pallas_src>

<mosaic_0001>
#map = affine_map<(d0, d1) -> (0, 0)>
module attributes {stable_mosaic.version = 14 : i64} {
  func.func @_sc_scatter(%arg0: i32, %arg1: i32, %arg2: memref<320000x48xf32, #tpu.memory_space<hbm>>, %arg3: memref<3200x100xi32, #tpu.memory_space<hbm>>, %arg4: memref<10000x48xf32, #tpu.memory_space<hbm>>, %arg5: memref<20000x48xf32, #tpu.memory_space<hbm>>, %arg6: memref<4x100xi32, #tpu.memory_space<vmem>>, %arg7: memref<400x48xf32, #tpu.memory_space<vmem>>, %arg8: memref<10000x48xf32, #tpu.memory_space<vmem_shared>>, %arg9: memref<!tpu.dma_semaphore, #tpu.memory_space<semaphore_mem>>) attributes {dimension_semantics = [#tpu.dimension_semantics<core_parallel>, #tpu.dimension_semantics<subcore_parallel>], iteration_bounds = array<i64: 2, 16>, scalar_prefetch = 0 : i64, scratch_operands = 4 : i64, tpu.core_type = #tpu.core_type<sc_vector_subcore>, window_params = [{transform_indices = #map}, {transform_indices = #map}, {transform_indices = #map}, {transform_indices = #map}]} {
    %mul3A = arith.constant 2 : i32
    %mul3A_0 = arith.muli %arg1, %mul3A : i32
    %add3A = arith.addi %mul3A_0, %arg0 : i32
    %mul3A_1 = arith.constant 625 : i32
    %mul3A_2 = arith.muli %arg1, %mul3A_1 : i32
    %mul3A_3 = arith.constant 625 : i32
    %mul3A_4 = arith.muli %arg1, %mul3A_3 : i32
    "tpu.region"() ({
      %run_scoped3A = tpu.sem_alloc : memref<!tpu.dma_semaphore, #tpu.memory_space<semaphore_mem>>
      %dma_start3A = arith.constant 0 : i32
      %dma_start3A_18 = tpu.memref_slice %arg8[%mul3A_4, %dma_start3A] : memref<10000x48xf32, #tpu.memory_space<vmem_shared>> -> memref<625x48xf32, #tpu.memory_space<vmem_shared>>
      %dma_start3A_19 = arith.constant 0 : i32
      %dma_start3A_20 = tpu.memref_slice %arg4[%mul3A_2, %dma_start3A_19] : memref<10000x48xf32, #tpu.memory_space<hbm>> -> memref<625x48xf32, #tpu.memory_space<hbm>>
      tpu.enqueue_dma source(%dma_start3A_20 : memref<625x48xf32, #tpu.memory_space<hbm>>) target(%dma_start3A_18 : memref<625x48xf32, #tpu.memory_space<vmem_shared>>) target_semaphore(%run_scoped3A : memref<!tpu.dma_semaphore, #tpu.memory_space<semaphore_mem>>)
      %dma_wait3A = arith.constant 0 : i32
      %dma_wait3A_21 = tpu.memref_slice %arg8[%mul3A_4, %dma_wait3A] : memref<10000x48xf32, #tpu.memory_space<vmem_shared>> -> memref<625x48xf32, #tpu.memory_space<vmem_shared>>
      %dma_wait3A_22 = arith.constant 0 : i32
      %dma_wait3A_23 = tpu.memref_slice %arg4[%mul3A_2, %dma_wait3A_22] : memref<10000x48xf32, #tpu.memory_space<hbm>> -> memref<625x48xf32, #tpu.memory_space<hbm>>
      tpu.wait_dma2 semaphore(%run_scoped3A : memref<!tpu.dma_semaphore, #tpu.memory_space<semaphore_mem>>) src(%dma_wait3A_23 : memref<625x48xf32, #tpu.memory_space<hbm>>) dst(%dma_wait3A_21 : memref<625x48xf32, #tpu.memory_space<vmem_shared>>)
      tpu.yield
    }) : () -> ()
    %barrier3A = arith.constant 0 : index
    tpu.barrier barrier_id(%barrier3A)
    %scan3A = arith.constant 0 : i32
    %scan3A_5 = arith.constant 0 : i32
    %scan3A_6 = arith.constant 25 : i32
    %scan3A_7 = arith.addi %scan3A_5, %scan3A_6 : i32
    %scan3A_8 = arith.constant 1 : i32
    scf.for %scan3A_18 = %scan3A_5 to %scan3A_7 step %scan3A_8  : i32 {
      %mul3A_19 = arith.constant 100 : i32
      %mul3A_20 = arith.muli %add3A, %mul3A_19 : i32
      %mul3A_21 = arith.constant 4 : i32
      %mul3A_22 = arith.muli %scan3A_18, %mul3A_21 : i32
      %add3A_23 = arith.addi %mul3A_20, %mul3A_22 : i32
      %mul3A_24 = arith.constant 10000 : i32
      %mul3A_25 = arith.muli %add3A, %mul3A_24 : i32
      %mul3A_26 = arith.constant 400 : i32
      %mul3A_27 = arith.muli %scan3A_18, %mul3A_26 : i32
      %add3A_28 = arith.addi %mul3A_25, %mul3A_27 : i32
      "tpu.region"() ({
        %run_scoped3A = tpu.sem_alloc : memref<!tpu.dma_semaphore, #tpu.memory_space<semaphore_mem>>
        %dma_start3A_107 = arith.constant 0 : i32
        %dma_start3A_108 = tpu.memref_slice %arg3[%add3A_23, %dma_start3A_107] : memref<3200x100xi32, #tpu.memory_space<hbm>> -> memref<4x100xi32, #tpu.memory_space<hbm>>
        %dma_start3A_109 = arith.constant 0 : i32
        %dma_start3A_110 = tpu.memref_slice %arg3[%add3A_23, %dma_start3A_109] : memref<3200x100xi32, #tpu.memory_space<hbm>> -> memref<4x100xi32, #tpu.memory_space<hbm>>
        tpu.enqueue_dma source(%dma_start3A_110 : memref<4x100xi32, #tpu.memory_space<hbm>>) target(%arg6 : memref<4x100xi32, #tpu.memory_space<vmem>>) target_semaphore(%run_scoped3A : memref<!tpu.dma_semaphore, #tpu.memory_space<semaphore_mem>>)
        %dma_wait3A_111 = arith.constant 0 : i32
        %dma_wait3A_112 = tpu.memref_slice %arg3[%add3A_23, %dma_wait3A_111] : memref<3200x100xi32, #tpu.memory_space<hbm>> -> memref<4x100xi32, #tpu.memory_space<hbm>>
        %dma_wait3A_113 = arith.constant 0 : i32
        %dma_wait3A_114 = tpu.memref_slice %arg3[%add3A_23, %dma_wait3A_113] : memref<3200x100xi32, #tpu.memory_space<hbm>> -> memref<4x100xi32, #tpu.memory_space<hbm>>
        tpu.wait_dma2 semaphore(%run_scoped3A : memref<!tpu.dma_semaphore, #tpu.memory_space<semaphore_mem>>) src(%dma_wait3A_114 : memref<4x100xi32, #tpu.memory_space<hbm>>) dst(%arg6 : memref<4x100xi32, #tpu.memory_space<vmem>>)
        tpu.yield
      }) : () -> ()
      "tpu.region"() ({
        %run_scoped3A = tpu.sem_alloc : memref<!tpu.dma_semaphore, #tpu.memory_space<semaphore_mem>>
        %dma_start3A_107 = arith.constant 0 : i32
        %dma_start3A_108 = tpu.memref_slice %arg2[%add3A_28, %dma_start3A_107] : memref<320000x48xf32, #tpu.memory_space<hbm>> -> memref<400x48xf32, #tpu.memory_space<hbm>>
        %dma_start3A_109 = arith.constant 0 : i32
        %dma_start3A_110 = tpu.memref_slice %arg2[%add3A_28, %dma_start3A_109] : memref<320000x48xf32, #tpu.memory_space<hbm>> -> memref<400x48xf32, #tpu.memory_space<hbm>>
        tpu.enqueue_dma source(%dma_start3A_110 : memref<400x48xf32, #tpu.memory_space<hbm>>) target(%arg7 : memref<400x48xf32, #tpu.memory_space<vmem>>) target_semaphore(%run_scoped3A : memref<!tpu.dma_semaphore, #tpu.memory_space<semaphore_mem>>)
        %dma_wait3A_111 = arith.constant 0 : i32
        %dma_wait3A_112 = tpu.memref_slice %arg2[%add3A_28, %dma_wait3A_111] : memref<320000x48xf32, #tpu.memory_space<hbm>> -> memref<400x48xf32, #tpu.memory_space<hbm>>
        %dma_wait3A_113 = arith.constant 0 : i32
        %dma_wait3A_114 = tpu.memref_slice %arg2[%add3A_28, %dma_wait3A_113] : memref<320000x48xf32, #tpu.memory_space<hbm>> -> memref<400x48xf32, #tpu.memory_space<hbm>>
        tpu.wait_dma2 semaphore(%run_scoped3A : memref<!tpu.dma_semaphore, #tpu.memory_space<semaphore_mem>>) src(%dma_wait3A_114 : memref<400x48xf32, #tpu.memory_space<hbm>>) dst(%arg7 : memref<400x48xf32, #tpu.memory_space<vmem>>)
        tpu.yield
      }) : () -> ()
      %dma_start3A = arith.constant 0 : i32
      %dma_start3A_29 = arith.constant 0 : i32
      %dma_start3A_30 = arith.constant 0 : i32
      %dma_start3A_31 = tpu.memref_slice %arg7[%dma_start3A_29, %dma_start3A_30] : memref<400x48xf32, #tpu.memory_space<vmem>> -> memref<100x48xf32, #tpu.memory_space<vmem>>
      %dma_start3A_32 = arith.constant 0 : i32
      %dma_start3A_33 = tpu.memref_slice %arg6[%dma_start3A, %dma_start3A_32] : memref<4x100xi32, #tpu.memory_space<vmem>> -> memref<1x100xi32, #tpu.memory_space<vmem>>
      %dma_start3A_34 = tpu.memref_squeeze %dma_start3A_33 : memref<1x100xi32, #tpu.memory_space<vmem>> -> memref<100xi32, #tpu.memory_space<vmem>>
      %dma_start3A_35 = arith.constant 0 : i32
      %dma_start3A_36 = arith.constant 0 : i32
      %dma_start3A_37 = tpu.memref_slice %arg8[%dma_start3A_35, %dma_start3A_36] : memref<10000x48xf32, #tpu.memory_space<vmem_shared>> -> memref<10000x48xf32, #tpu.memory_space<vmem_shared>>
      tpu.enqueue_indirect_dma source(%dma_start3A_31 : memref<100x48xf32, #tpu.memory_space<vmem>>) target(%dma_start3A_37 : memref<10000x48xf32, #tpu.memory_space<vmem_shared>>) offsets(%dma_start3A_34 : memref<100xi32, #tpu.memory_space<vmem>>) semaphore(%arg9 : memref<!tpu.dma_semaphore, #tpu.memory_space<semaphore_mem>>) {add = true}
      %dma_start3A_38 = arith.constant 1 : i32
      %dma_start3A_39 = arith.constant 100 : i32
      %dma_start3A_40 = arith.constant 0 : i32
      %dma_start3A_41 = tpu.memref_slice %arg7[%dma_start3A_39, %dma_start3A_40] : memref<400x48xf32, #tpu.memory_space<vmem>> -> memref<100x48xf32, #tpu.memory_space<vmem>>
      %dma_start3A_42 = arith.constant 0 : i32
      %dma_start3A_43 = tpu.memref_slice %arg6[%dma_start3A_38, %dma_start3A_42] : memref<4x100xi32, #tpu.memory_space<vmem>> -> memref<1x100xi32, #tpu.memory_space<vmem>>
      %dma_start3A_44 = tpu.memref_squeeze %dma_start3A_43 : memref<1x100xi32, #tpu.memory_space<vmem>> -> memref<100xi32, #tpu.memory_space<vmem>>
      %dma_start3A_45 = arith.constant 0 : i32
      %dma_start3A_46 = arith.constant 0 : i32
      %dma_start3A_47 = tpu.memref_slice %arg8[%dma_start3A_45, %dma_start3A_46] : memref<10000x48xf32, #tpu.memory_space<vmem_shared>> -> memref<10000x48xf32, #tpu.memory_space<vmem_shared>>
      tpu.enqueue_indirect_dma source(%dma_start3A_41 : memref<100x48xf32, #tpu.memory_space<vmem>>) target(%dma_start3A_47 : memref<10000x48xf32, #tpu.memory_space<vmem_shared>>) offsets(%dma_start3A_44 : memref<100xi32, #tpu.memory_space<vmem>>) semaphore(%arg9 : memref<!tpu.dma_semaphore, #tpu.memory_space<semaphore_mem>>) {add = true}
      %dma_start3A_48 = arith.constant 2 : i32
      %dma_start3A_49 = arith.constant 200 : i32
      %dma_start3A_50 = arith.constant 0 : i32
      %dma_start3A_51 = tpu.memref_slice %arg7[%dma_start3A_49, %dma_start3A_50] : memref<400x48xf32, #tpu.memory_space<vmem>> -> memref<100x48xf32, #tpu.memory_space<vmem>>
      %dma_start3A_52 = arith.constant 0 : i32
      %dma_start3A_53 = tpu.memref_slice %arg6[%dma_start3A_48, %dma_start3A_52] : memref<4x100xi32, #tpu.memory_space<vmem>> -> memref<1x100xi32, #tpu.memory_space<vmem>>
      %dma_start3A_54 = tpu.memref_squeeze %dma_start3A_53 : memref<1x100xi32, #tpu.memory_space<vmem>> -> memref<100xi32, #tpu.memory_space<vmem>>
      %dma_start3A_55 = arith.constant 0 : i32
      %dma_start3A_56 = arith.constant 0 : i32
      %dma_start3A_57 = tpu.memref_slice %arg8[%dma_start3A_55, %dma_start3A_56] : memref<10000x48xf32, #tpu.memory_space<vmem_shared>> -> memref<10000x48xf32, #tpu.memory_space<vmem_shared>>
      tpu.enqueue_indirect_dma source(%dma_start3A_51 : memref<100x48xf32, #tpu.memory_space<vmem>>) target(%dma_start3A_57 : memref<10000x48xf32, #tpu.memory_space<vmem_shared>>) offsets(%dma_start3A_54 : memref<100xi32, #tpu.memory_space<vmem>>) semaphore(%arg9 : memref<!tpu.dma_semaphore, #tpu.memory_space<semaphore_mem>>) {add = true}
      %dma_start3A_58 = arith.constant 3 : i32
      %dma_start3A_59 = arith.constant 300 : i32
      %dma_start3A_60 = arith.constant 0 : i32
      %dma_start3A_61 = tpu.memref_slice %arg7[%dma_start3A_59, %dma_start3A_60] : memref<400x48xf32, #tpu.memory_space<vmem>> -> memref<100x48xf32, #tpu.memory_space<vmem>>
      %dma_start3A_62 = arith.constant 0 : i32
      %dma_start3A_63 = tpu.memref_slice %arg6[%dma_start3A_58, %dma_start3A_62] : memref<4x100xi32, #tpu.memory_space<vmem>> -> memref<1x100xi32, #tpu.memory_space<vmem>>
      %dma_start3A_64 = tpu.memref_squeeze %dma_start3A_63 : memref<1x100xi32, #tpu.memory_space<vmem>> -> memref<100xi32, #tpu.memory_space<vmem>>
      %dma_start3A_65 = arith.constant 0 : i32
      %dma_start3A_66 = arith.constant 0 : i32
      %dma_start3A_67 = tpu.memref_slice %arg8[%dma_start3A_65, %dma_start3A_66] : memref<10000x48xf32, #tpu.memory_space<vmem_shared>> -> memref<10000x48xf32, #tpu.memory_space<vmem_shared>>
      tpu.enqueue_indirect_dma source(%dma_start3A_61 : memref<100x48xf32, #tpu.memory_space<vmem>>) target(%dma_start3A_67 : memref<10000x48xf32, #tpu.memory_space<vmem_shared>>) offsets(%dma_start3A_64 : memref<100xi32, #tpu.memory_space<vmem>>) semaphore(%arg9 : memref<!tpu.dma_semaphore, #tpu.memory_space<semaphore_mem>>) {add = true}
      %dma_wait3A = arith.constant 0 : i32
      %dma_wait3A_68 = arith.constant 0 : i32
      %dma_wait3A_69 = arith.constant 0 : i32
      %dma_wait3A_70 = tpu.memref_slice %arg7[%dma_wait3A_68, %dma_wait3A_69] : memref<400x48xf32, #tpu.memory_space<vmem>> -> memref<100x48xf32, #tpu.memory_space<vmem>>
      %dma_wait3A_71 = arith.constant 0 : i32
      %dma_wait3A_72 = tpu.memref_slice %arg6[%dma_wait3A, %dma_wait3A_71] : memref<4x100xi32, #tpu.memory_space<vmem>> -> memref<1x100xi32, #tpu.memory_space<vmem>>
      %dma_wait3A_73 = tpu.memref_squeeze %dma_wait3A_72 : memref<1x100xi32, #tpu.memory_space<vmem>> -> memref<100xi32, #tpu.memory_space<vmem>>
      %dma_wait3A_74 = arith.constant 0 : i32
      %dma_wait3A_75 = arith.constant 0 : i32
      %dma_wait3A_76 = tpu.memref_slice %arg8[%dma_wait3A_74, %dma_wait3A_75] : memref<10000x48xf32, #tpu.memory_space<vmem_shared>> -> memref<10000x48xf32, #tpu.memory_space<vmem_shared>>
      tpu.wait_indirect_dma semaphore(%arg9 : memref<!tpu.dma_semaphore, #tpu.memory_space<semaphore_mem>>) src(%dma_wait3A_70 : memref<100x48xf32, #tpu.memory_space<vmem>>) dst(%dma_wait3A_76 : memref<10000x48xf32, #tpu.memory_space<vmem_shared>>)
      %dma_wait3A_77 = arith.constant 1 : i32
      %dma_wait3A_78 = arith.constant 100 : i32
      %dma_wait3A_79 = arith.constant 0 : i32
      %dma_wait3A_80 = tpu.memref_slice %arg7[%dma_wait3A_78, %dma_wait3A_79] : memref<400x48xf32, #tpu.memory_space<vmem>> -> memref<100x48xf32, #tpu.memory_space<vmem>>
      %dma_wait3A_81 = arith.constant 0 : i32
      %dma_wait3A_82 = tpu.memref_slice %arg6[%dma_wait3A_77, %dma_wait3A_81] : memref<4x100xi32, #tpu.memory_space<vmem>> -> memref<1x100xi32, #tpu.memory_space<vmem>>
      %dma_wait3A_83 = tpu.memref_squeeze %dma_wait3A_82 : memref<1x100xi32, #tpu.memory_space<vmem>> -> memref<100xi32, #tpu.memory_space<vmem>>
      %dma_wait3A_84 = arith.constant 0 : i32
      %dma_wait3A_85 = arith.constant 0 : i32
      %dma_wait3A_86 = tpu.memref_slice %arg8[%dma_wait3A_84, %dma_wait3A_85] : memref<10000x48xf32, #tpu.memory_space<vmem_shared>> -> memref<10000x48xf32, #tpu.memory_space<vmem_shared>>
      tpu.wait_indirect_dma semaphore(%arg9 : memref<!tpu.dma_semaphore, #tpu.memory_space<semaphore_mem>>) src(%dma_wait3A_80 : memref<100x48xf32, #tpu.memory_space<vmem>>) dst(%dma_wait3A_86 : memref<10000x48xf32, #tpu.memory_space<vmem_shared>>)
      %dma_wait3A_87 = arith.constant 2 : i32
      %dma_wait3A_88 = arith.constant 200 : i32
      %dma_wait3A_89 = arith.constant 0 : i32
      %dma_wait3A_90 = tpu.memref_slice %arg7[%dma_wait3A_88, %dma_wait3A_89] : memref<400x48xf32, #tpu.memory_space<vmem>> -> memref<100x48xf32, #tpu.memory_space<vmem>>
      %dma_wait3A_91 = arith.constant 0 : i32
      %dma_wait3A_92 = tpu.memref_slice %arg6[%dma_wait3A_87, %dma_wait3A_91] : memref<4x100xi32, #tpu.memory_space<vmem>> -> memref<1x100xi32, #tpu.memory_space<vmem>>
      %dma_wait3A_93 = tpu.memref_squeeze %dma_wait3A_92 : memref<1x100xi32, #tpu.memory_space<vmem>> -> memref<100xi32, #tpu.memory_space<vmem>>
      %dma_wait3A_94 = arith.constant 0 : i32
      %dma_wait3A_95 = arith.constant 0 : i32
      %dma_wait3A_96 = tpu.memref_slice %arg8[%dma_wait3A_94, %dma_wait3A_95] : memref<10000x48xf32, #tpu.memory_space<vmem_shared>> -> memref<10000x48xf32, #tpu.memory_space<vmem_shared>>
      tpu.wait_indirect_dma semaphore(%arg9 : memref<!tpu.dma_semaphore, #tpu.memory_space<semaphore_mem>>) src(%dma_wait3A_90 : memref<100x48xf32, #tpu.memory_space<vmem>>) dst(%dma_wait3A_96 : memref<10000x48xf32, #tpu.memory_space<vmem_shared>>)
      %dma_wait3A_97 = arith.constant 3 : i32
      %dma_wait3A_98 = arith.constant 300 : i32
      %dma_wait3A_99 = arith.constant 0 : i32
      %dma_wait3A_100 = tpu.memref_slice %arg7[%dma_wait3A_98, %dma_wait3A_99] : memref<400x48xf32, #tpu.memory_space<vmem>> -> memref<100x48xf32, #tpu.memory_space<vmem>>
      %dma_wait3A_101 = arith.constant 0 : i32
      %dma_wait3A_102 = tpu.memref_slice %arg6[%dma_wait3A_97, %dma_wait3A_101] : memref<4x100xi32, #tpu.memory_space<vmem>> -> memref<1x100xi32, #tpu.memory_space<vmem>>
      %dma_wait3A_103 = tpu.memref_squeeze %dma_wait3A_102 : memref<1x100xi32, #tpu.memory_space<vmem>> -> memref<100xi32, #tpu.memory_space<vmem>>
      %dma_wait3A_104 = arith.constant 0 : i32
      %dma_wait3A_105 = arith.constant 0 : i32
      %dma_wait3A_106 = tpu.memref_slice %arg8[%dma_wait3A_104, %dma_wait3A_105] : memref<10000x48xf32, #tpu.memory_space<vmem_shared>> -> memref<10000x48xf32, #tpu.memory_space<vmem_shared>>
      tpu.wait_indirect_dma semaphore(%arg9 : memref<!tpu.dma_semaphore, #tpu.memory_space<semaphore_mem>>) src(%dma_wait3A_100 : memref<100x48xf32, #tpu.memory_space<vmem>>) dst(%dma_wait3A_106 : memref<10000x48xf32, #tpu.memory_space<vmem_shared>>)
    }
    %scan3A_9 = arith.constant 25 : i32
    %barrier3A_10 = arith.constant 0 : index
    tpu.barrier barrier_id(%barrier3A_10)
    %mul3A_11 = arith.constant 625 : i32
    %mul3A_12 = arith.muli %arg1, %mul3A_11 : i32
    %mul3A_13 = arith.constant 10000 : i32
    %mul3A_14 = arith.muli %arg0, %mul3A_13 : i32
    %mul3A_15 = arith.constant 625 : i32
    %mul3A_16 = arith.muli %arg1, %mul3A_15 : i32
    %add3A_17 = arith.addi %mul3A_14, %mul3A_16 : i32
    "tpu.region"() ({
      %run_scoped3A = tpu.sem_alloc : memref<!tpu.dma_semaphore, #tpu.memory_space<semaphore_mem>>
      %dma_start3A = arith.constant 0 : i32
      %dma_start3A_18 = tpu.memref_slice %arg5[%add3A_17, %dma_start3A] : memref<20000x48xf32, #tpu.memory_space<hbm>> -> memref<625x48xf32, #tpu.memory_space<hbm>>
      %dma_start3A_19 = arith.constant 0 : i32
      %dma_start3A_20 = tpu.memref_slice %arg8[%mul3A_12, %dma_start3A_19] : memref<10000x48xf32, #tpu.memory_space<vmem_shared>> -> memref<625x48xf32, #tpu.memory_space<vmem_shared>>
      tpu.enqueue_dma source(%dma_start3A_20 : memref<625x48xf32, #tpu.memory_space<vmem_shared>>) target(%dma_start3A_18 : memref<625x48xf32, #tpu.memory_space<hbm>>) target_semaphore(%run_scoped3A : memref<!tpu.dma_semaphore, #tpu.memory_space<semaphore_mem>>)
      %dma_wait3A = arith.constant 0 : i32
      %dma_wait3A_21 = tpu.memref_slice %arg5[%add3A_17, %dma_wait3A] : memref<20000x48xf32, #tpu.memory_space<hbm>> -> memref<625x48xf32, #tpu.memory_space<hbm>>
      %dma_wait3A_22 = arith.constant 0 : i32
      %dma_wait3A_23 = tpu.memref_slice %arg8[%mul3A_12, %dma_wait3A_22] : memref<10000x48xf32, #tpu.memory_space<vmem_shared>> -> memref<625x48xf32, #tpu.memory_space<vmem_shared>>
      tpu.wait_dma2 semaphore(%run_scoped3A : memref<!tpu.dma_semaphore, #tpu.memory_space<semaphore_mem>>) src(%dma_wait3A_23 : memref<625x48xf32, #tpu.memory_space<vmem_shared>>) dst(%dma_wait3A_21 : memref<625x48xf32, #tpu.memory_space<hbm>>)
      tpu.yield
    }) : () -> ()
    return
  }
}

#map = affine_map<(d0, d1) -> (0, 0)>
module attributes {stable_mosaic.version = 14 : i64} {
  func.func @_sc_gather(%arg0: i32, %arg1: i32, %arg2: memref<10000x32xf32, #tpu.memory_space<hbm>>, %arg3: memref<10000x32xf32, #tpu.memory_space<hbm>>, %arg4: memref<3200x100xi32, #tpu.memory_space<hbm>>, %arg5: memref<3200x100xi32, #tpu.memory_space<hbm>>, %arg6: memref<320000x32xf32, #tpu.memory_space<hbm>>, %arg7: memref<320000x32xf32, #tpu.memory_space<hbm>>, %arg8: memref<4x100xi32, #tpu.memory_space<vmem>>, %arg9: memref<4x100xi32, #tpu.memory_space<vmem>>, %arg10: memref<400x32xf32, #tpu.memory_space<vmem>>, %arg11: memref<400x32xf32, #tpu.memory_space<vmem>>, %arg12: memref<!tpu.dma_semaphore, #tpu.memory_space<semaphore_mem>>, %arg13: memref<!tpu.dma_semaphore, #tpu.memory_space<semaphore_mem>>) attributes {dimension_semantics = [#tpu.dimension_semantics<core_parallel>, #tpu.dimension_semantics<subcore_parallel>], iteration_bounds = array<i64: 2, 16>, scalar_prefetch = 0 : i64, scratch_operands = 6 : i64, tpu.core_type = #tpu.core_type<sc_vector_subcore>, window_params = [{transform_indices = #map}, {transform_indices = #map}, {transform_indices = #map}, {transform_indices = #map}, {transform_indices = #map}, {transform_indices = #map}]} {
    %mul3A = arith.constant 2 : i32
    %mul3A_0 = arith.muli %arg1, %mul3A : i32
    %add3A = arith.addi %mul3A_0, %arg0 : i32
    %scan3A = arith.constant 0 : i32
    %scan3A_1 = arith.constant 0 : i32
    %scan3A_2 = arith.constant 25 : i32
    %scan3A_3 = arith.addi %scan3A_1, %scan3A_2 : i32
    %scan3A_4 = arith.constant 1 : i32
    scf.for %scan3A_6 = %scan3A_1 to %scan3A_3 step %scan3A_4  : i32 {
      %mul3A_7 = arith.constant 100 : i32
      %mul3A_8 = arith.muli %add3A, %mul3A_7 : i32
      %mul3A_9 = arith.constant 4 : i32
      %mul3A_10 = arith.muli %scan3A_6, %mul3A_9 : i32
      %add3A_11 = arith.addi %mul3A_8, %mul3A_10 : i32
      %mul3A_12 = arith.constant 10000 : i32
      %mul3A_13 = arith.muli %add3A, %mul3A_12 : i32
      %mul3A_14 = arith.constant 400 : i32
      %mul3A_15 = arith.muli %scan3A_6, %mul3A_14 : i32
      %add3A_16 = arith.addi %mul3A_13, %mul3A_15 : i32
      "tpu.region"() ({
        %run_scoped3A = tpu.sem_alloc : memref<!tpu.dma_semaphore, #tpu.memory_space<semaphore_mem>>
        %dma_start3A_175 = arith.constant 0 : i32
        %dma_start3A_176 = tpu.memref_slice %arg4[%add3A_11, %dma_start3A_175] : memref<3200x100xi32, #tpu.memory_space<hbm>> -> memref<4x100xi32, #tpu.memory_space<hbm>>
        %dma_start3A_177 = arith.constant 0 : i32
        %dma_start3A_178 = tpu.memref_slice %arg4[%add3A_11, %dma_start3A_177] : memref<3200x100xi32, #tpu.memory_space<hbm>> -> memref<4x100xi32, #tpu.memory_space<hbm>>
        tpu.enqueue_dma source(%dma_start3A_178 : memref<4x100xi32, #tpu.memory_space<hbm>>) target(%arg8 : memref<4x100xi32, #tpu.memory_space<vmem>>) target_semaphore(%run_scoped3A : memref<!tpu.dma_semaphore, #tpu.memory_space<semaphore_mem>>)
        %dma_wait3A_179 = arith.constant 0 : i32
        %dma_wait3A_180 = tpu.memref_slice %arg4[%add3A_11, %dma_wait3A_179] : memref<3200x100xi32, #tpu.memory_space<hbm>> -> memref<4x100xi32, #tpu.memory_space<hbm>>
        %dma_wait3A_181 = arith.constant 0 : i32
        %dma_wait3A_182 = tpu.memref_slice %arg4[%add3A_11, %dma_wait3A_181] : memref<3200x100xi32, #tpu.memory_space<hbm>> -> memref<4x100xi32, #tpu.memory_space<hbm>>
        tpu.wait_dma2 semaphore(%run_scoped3A : memref<!tpu.dma_semaphore, #tpu.memory_space<semaphore_mem>>) src(%dma_wait3A_182 : memref<4x100xi32, #tpu.memory_space<hbm>>) dst(%arg8 : memref<4x100xi32, #tpu.memory_space<vmem>>)
        tpu.yield
      }) : () -> ()
      "tpu.region"() ({
        %run_scoped3A = tpu.sem_alloc : memref<!tpu.dma_semaphore, #tpu.memory_space<semaphore_mem>>
        %dma_start3A_175 = arith.constant 0 : i32
        %dma_start3A_176 = tpu.memref_slice %arg5[%add3A_11, %dma_start3A_175] : memref<3200x100xi32, #tpu.memory_space<hbm>> -> memref<4x100xi32, #tpu.memory_space<hbm>>
        %dma_start3A_177 = arith.constant 0 : i32
        %dma_start3A_178 = tpu.memref_slice %arg5[%add3A_11, %dma_start3A_177] : memref<3200x100xi32, #tpu.memory_space<hbm>> -> memref<4x100xi32, #tpu.memory_space<hbm>>
        tpu.enqueue_dma source(%dma_start3A_178 : memref<4x100xi32, #tpu.memory_space<hbm>>) target(%arg9 : memref<4x100xi32, #tpu.memory_space<vmem>>) target_semaphore(%run_scoped3A : memref<!tpu.dma_semaphore, #tpu.memory_space<semaphore_mem>>)
        %dma_wait3A_179 = arith.constant 0 : i32
        %dma_wait3A_180 = tpu.memref_slice %arg5[%add3A_11, %dma_wait3A_179] : memref<3200x100xi32, #tpu.memory_space<hbm>> -> memref<4x100xi32, #tpu.memory_space<hbm>>
        %dma_wait3A_181 = arith.constant 0 : i32
        %dma_wait3A_182 = tpu.memref_slice %arg5[%add3A_11, %dma_wait3A_181] : memref<3200x100xi32, #tpu.memory_space<hbm>> -> memref<4x100xi32, #tpu.memory_space<hbm>>
        tpu.wait_dma2 semaphore(%run_scoped3A : memref<!tpu.dma_semaphore, #tpu.memory_space<semaphore_mem>>) src(%dma_wait3A_182 : memref<4x100xi32, #tpu.memory_space<hbm>>) dst(%arg9 : memref<4x100xi32, #tpu.memory_space<vmem>>)
        tpu.yield
      }) : () -> ()
      %dma_start3A = arith.constant 0 : i32
      %dma_start3A_17 = arith.constant 0 : i32
      %dma_start3A_18 = arith.constant 0 : i32
      %dma_start3A_19 = tpu.memref_slice %arg10[%dma_start3A_17, %dma_start3A_18] : memref<400x32xf32, #tpu.memory_space<vmem>> -> memref<100x32xf32, #tpu.memory_space<vmem>>
      %dma_start3A_20 = arith.constant 0 : i32
      %dma_start3A_21 = tpu.memref_slice %arg8[%dma_start3A, %dma_start3A_20] : memref<4x100xi32, #tpu.memory_space<vmem>> -> memref<1x100xi32, #tpu.memory_space<vmem>>
      %dma_start3A_22 = tpu.memref_squeeze %dma_start3A_21 : memref<1x100xi32, #tpu.memory_space<vmem>> -> memref<100xi32, #tpu.memory_space<vmem>>
      %dma_start3A_23 = arith.constant 0 : i32
      %dma_start3A_24 = arith.constant 0 : i32
      %dma_start3A_25 = tpu.memref_slice %arg2[%dma_start3A_23, %dma_start3A_24] : memref<10000x32xf32, #tpu.memory_space<hbm>> -> memref<10000x32xf32, #tpu.memory_space<hbm>>
      tpu.enqueue_indirect_dma source(%dma_start3A_25 : memref<10000x32xf32, #tpu.memory_space<hbm>>) target(%dma_start3A_19 : memref<100x32xf32, #tpu.memory_space<vmem>>) offsets(%dma_start3A_22 : memref<100xi32, #tpu.memory_space<vmem>>) semaphore(%arg12 : memref<!tpu.dma_semaphore, #tpu.memory_space<semaphore_mem>>)
      %dma_start3A_26 = arith.constant 0 : i32
      %dma_start3A_27 = arith.constant 0 : i32
      %dma_start3A_28 = arith.constant 0 : i32
      %dma_start3A_29 = tpu.memref_slice %arg11[%dma_start3A_27, %dma_start3A_28] : memref<400x32xf32, #tpu.memory_space<vmem>> -> memref<100x32xf32, #tpu.memory_space<vmem>>
      %dma_start3A_30 = arith.constant 0 : i32
      %dma_start3A_31 = tpu.memref_slice %arg9[%dma_start3A_26, %dma_start3A_30] : memref<4x100xi32, #tpu.memory_space<vmem>> -> memref<1x100xi32, #tpu.memory_space<vmem>>
      %dma_start3A_32 = tpu.memref_squeeze %dma_start3A_31 : memref<1x100xi32, #tpu.memory_space<vmem>> -> memref<100xi32, #tpu.memory_space<vmem>>
      %dma_start3A_33 = arith.constant 0 : i32
      %dma_start3A_34 = arith.constant 0 : i32
      %dma_start3A_35 = tpu.memref_slice %arg3[%dma_start3A_33, %dma_start3A_34] : memref<10000x32xf32, #tpu.memory_space<hbm>> -> memref<10000x32xf32, #tpu.memory_space<hbm>>
      tpu.enqueue_indirect_dma source(%dma_start3A_35 : memref<10000x32xf32, #tpu.memory_space<hbm>>) target(%dma_start3A_29 : memref<100x32xf32, #tpu.memory_space<vmem>>) offsets(%dma_start3A_32 : memref<100xi32, #tpu.memory_space<vmem>>) semaphore(%arg13 : memref<!tpu.dma_semaphore, #tpu.memory_space<semaphore_mem>>)
      %dma_start3A_36 = arith.constant 1 : i32
      %dma_start3A_37 = arith.constant 100 : i32
      %dma_start3A_38 = arith.constant 0 : i32
      %dma_start3A_39 = tpu.memref_slice %arg10[%dma_start3A_37, %dma_start3A_38] : memref<400x32xf32, #tpu.memory_space<vmem>> -> memref<100x32xf32, #tpu.memory_space<vmem>>
      %dma_start3A_40 = arith.constant 0 : i32
      %dma_start3A_41 = tpu.memref_slice %arg8[%dma_start3A_36, %dma_start3A_40] : memref<4x100xi32, #tpu.memory_space<vmem>> -> memref<1x100xi32, #tpu.memory_space<vmem>>
      %dma_start3A_42 = tpu.memref_squeeze %dma_start3A_41 : memref<1x100xi32, #tpu.memory_space<vmem>> -> memref<100xi32, #tpu.memory_space<vmem>>
      %dma_start3A_43 = arith.constant 0 : i32
      %dma_start3A_44 = arith.constant 0 : i32
      %dma_start3A_45 = tpu.memref_slice %arg2[%dma_start3A_43, %dma_start3A_44] : memref<10000x32xf32, #tpu.memory_space<hbm>> -> memref<10000x32xf32, #tpu.memory_space<hbm>>
      tpu.enqueue_indirect_dma source(%dma_start3A_45 : memref<10000x32xf32, #tpu.memory_space<hbm>>) target(%dma_start3A_39 : memref<100x32xf32, #tpu.memory_space<vmem>>) offsets(%dma_start3A_42 : memref<100xi32, #tpu.memory_space<vmem>>) semaphore(%arg12 : memref<!tpu.dma_semaphore, #tpu.memory_space<semaphore_mem>>)
      %dma_start3A_46 = arith.constant 1 : i32
      %dma_start3A_47 = arith.constant 100 : i32
      %dma_start3A_48 = arith.constant 0 : i32
      %dma_start3A_49 = tpu.memref_slice %arg11[%dma_start3A_47, %dma_start3A_48] : memref<400x32xf32, #tpu.memory_space<vmem>> -> memref<100x32xf32, #tpu.memory_space<vmem>>
      %dma_start3A_50 = arith.constant 0 : i32
      %dma_start3A_51 = tpu.memref_slice %arg9[%dma_start3A_46, %dma_start3A_50] : memref<4x100xi32, #tpu.memory_space<vmem>> -> memref<1x100xi32, #tpu.memory_space<vmem>>
      %dma_start3A_52 = tpu.memref_squeeze %dma_start3A_51 : memref<1x100xi32, #tpu.memory_space<vmem>> -> memref<100xi32, #tpu.memory_space<vmem>>
      %dma_start3A_53 = arith.constant 0 : i32
      %dma_start3A_54 = arith.constant 0 : i32
      %dma_start3A_55 = tpu.memref_slice %arg3[%dma_start3A_53, %dma_start3A_54] : memref<10000x32xf32, #tpu.memory_space<hbm>> -> memref<10000x32xf32, #tpu.memory_space<hbm>>
      tpu.enqueue_indirect_dma source(%dma_start3A_55 : memref<10000x32xf32, #tpu.memory_space<hbm>>) target(%dma_start3A_49 : memref<100x32xf32, #tpu.memory_space<vmem>>) offsets(%dma_start3A_52 : memref<100xi32, #tpu.memory_space<vmem>>) semaphore(%arg13 : memref<!tpu.dma_semaphore, #tpu.memory_space<semaphore_mem>>)
      %dma_start3A_56 = arith.constant 2 : i32
      %dma_start3A_57 = arith.constant 200 : i32
      %dma_start3A_58 = arith.constant 0 : i32
      %dma_start3A_59 = tpu.memref_slice %arg10[%dma_start3A_57, %dma_start3A_58] : memref<400x32xf32, #tpu.memory_space<vmem>> -> memref<100x32xf32, #tpu.memory_space<vmem>>
      %dma_start3A_60 = arith.constant 0 : i32
      %dma_start3A_61 = tpu.memref_slice %arg8[%dma_start3A_56, %dma_start3A_60] : memref<4x100xi32, #tpu.memory_space<vmem>> -> memref<1x100xi32, #tpu.memory_space<vmem>>
      %dma_start3A_62 = tpu.memref_squeeze %dma_start3A_61 : memref<1x100xi32, #tpu.memory_space<vmem>> -> memref<100xi32, #tpu.memory_space<vmem>>
      %dma_start3A_63 = arith.constant 0 : i32
      %dma_start3A_64 = arith.constant 0 : i32
      %dma_start3A_65 = tpu.memref_slice %arg2[%dma_start3A_63, %dma_start3A_64] : memref<10000x32xf32, #tpu.memory_space<hbm>> -> memref<10000x32xf32, #tpu.memory_space<hbm>>
      tpu.enqueue_indirect_dma source(%dma_start3A_65 : memref<10000x32xf32, #tpu.memory_space<hbm>>) target(%dma_start3A_59 : memref<100x32xf32, #tpu.memory_space<vmem>>) offsets(%dma_start3A_62 : memref<100xi32, #tpu.memory_space<vmem>>) semaphore(%arg12 : memref<!tpu.dma_semaphore, #tpu.memory_space<semaphore_mem>>)
      %dma_start3A_66 = arith.constant 2 : i32
      %dma_start3A_67 = arith.constant 200 : i32
      %dma_start3A_68 = arith.constant 0 : i32
      %dma_start3A_69 = tpu.memref_slice %arg11[%dma_start3A_67, %dma_start3A_68] : memref<400x32xf32, #tpu.memory_space<vmem>> -> memref<100x32xf32, #tpu.memory_space<vmem>>
      %dma_start3A_70 = arith.constant 0 : i32
      %dma_start3A_71 = tpu.memref_slice %arg9[%dma_start3A_66, %dma_start3A_70] : memref<4x100xi32, #tpu.memory_space<vmem>> -> memref<1x100xi32, #tpu.memory_space<vmem>>
      %dma_start3A_72 = tpu.memref_squeeze %dma_start3A_71 : memref<1x100xi32, #tpu.memory_space<vmem>> -> memref<100xi32, #tpu.memory_space<vmem>>
      %dma_start3A_73 = arith.constant 0 : i32
      %dma_start3A_74 = arith.constant 0 : i32
      %dma_start3A_75 = tpu.memref_slice %arg3[%dma_start3A_73, %dma_start3A_74] : memref<10000x32xf32, #tpu.memory_space<hbm>> -> memref<10000x32xf32, #tpu.memory_space<hbm>>
      tpu.enqueue_indirect_dma source(%dma_start3A_75 : memref<10000x32xf32, #tpu.memory_space<hbm>>) target(%dma_start3A_69 : memref<100x32xf32, #tpu.memory_space<vmem>>) offsets(%dma_start3A_72 : memref<100xi32, #tpu.memory_space<vmem>>) semaphore(%arg13 : memref<!tpu.dma_semaphore, #tpu.memory_space<semaphore_mem>>)
      %dma_start3A_76 = arith.constant 3 : i32
      %dma_start3A_77 = arith.constant 300 : i32
      %dma_start3A_78 = arith.constant 0 : i32
      %dma_start3A_79 = tpu.memref_slice %arg10[%dma_start3A_77, %dma_start3A_78] : memref<400x32xf32, #tpu.memory_space<vmem>> -> memref<100x32xf32, #tpu.memory_space<vmem>>
      %dma_start3A_80 = arith.constant 0 : i32
      %dma_start3A_81 = tpu.memref_slice %arg8[%dma_start3A_76, %dma_start3A_80] : memref<4x100xi32, #tpu.memory_space<vmem>> -> memref<1x100xi32, #tpu.memory_space<vmem>>
      %dma_start3A_82 = tpu.memref_squeeze %dma_start3A_81 : memref<1x100xi32, #tpu.memory_space<vmem>> -> memref<100xi32, #tpu.memory_space<vmem>>
      %dma_start3A_83 = arith.constant 0 : i32
      %dma_start3A_84 = arith.constant 0 : i32
      %dma_start3A_85 = tpu.memref_slice %arg2[%dma_start3A_83, %dma_start3A_84] : memref<10000x32xf32, #tpu.memory_space<hbm>> -> memref<10000x32xf32, #tpu.memory_space<hbm>>
      tpu.enqueue_indirect_dma source(%dma_start3A_85 : memref<10000x32xf32, #tpu.memory_space<hbm>>) target(%dma_start3A_79 : memref<100x32xf32, #tpu.memory_space<vmem>>) offsets(%dma_start3A_82 : memref<100xi32, #tpu.memory_space<vmem>>) semaphore(%arg12 : memref<!tpu.dma_semaphore, #tpu.memory_space<semaphore_mem>>)
      %dma_start3A_86 = arith.constant 3 : i32
      %dma_start3A_87 = arith.constant 300 : i32
      %dma_start3A_88 = arith.constant 0 : i32
      %dma_start3A_89 = tpu.memref_slice %arg11[%dma_start3A_87, %dma_start3A_88] : memref<400x32xf32, #tpu.memory_space<vmem>> -> memref<100x32xf32, #tpu.memory_space<vmem>>
      %dma_start3A_90 = arith.constant 0 : i32
      %dma_start3A_91 = tpu.memref_slice %arg9[%dma_start3A_86, %dma_start3A_90] : memref<4x100xi32, #tpu.memory_space<vmem>> -> memref<1x100xi32, #tpu.memory_space<vmem>>
      %dma_start3A_92 = tpu.memref_squeeze %dma_start3A_91 : memref<1x100xi32, #tpu.memory_space<vmem>> -> memref<100xi32, #tpu.memory_space<vmem>>
      %dma_start3A_93 = arith.constant 0 : i32
      %dma_start3A_94 = arith.constant 0 : i32
      %dma_start3A_95 = tpu.memref_slice %arg3[%dma_start3A_93, %dma_start3A_94] : memref<10000x32xf32, #tpu.memory_space<hbm>> -> memref<10000x32xf32, #tpu.memory_space<hbm>>
      tpu.enqueue_indirect_dma source(%dma_start3A_95 : memref<10000x32xf32, #tpu.memory_space<hbm>>) target(%dma_start3A_89 : memref<100x32xf32, #tpu.memory_space<vmem>>) offsets(%dma_start3A_92 : memref<100xi32, #tpu.memory_space<vmem>>) semaphore(%arg13 : memref<!tpu.dma_semaphore, #tpu.memory_space<semaphore_mem>>)
      %dma_wait3A = arith.constant 0 : i32
      %dma_wait3A_96 = arith.constant 0 : i32
      %dma_wait3A_97 = arith.constant 0 : i32
      %dma_wait3A_98 = tpu.memref_slice %arg10[%dma_wait3A_96, %dma_wait3A_97] : memref<400x32xf32, #tpu.memory_space<vmem>> -> memref<100x32xf32, #tpu.memory_space<vmem>>
      %dma_wait3A_99 = arith.constant 0 : i32
      %dma_wait3A_100 = tpu.memref_slice %arg8[%dma_wait3A, %dma_wait3A_99] : memref<4x100xi32, #tpu.memory_space<vmem>> -> memref<1x100xi32, #tpu.memory_space<vmem>>
      %dma_wait3A_101 = tpu.memref_squeeze %dma_wait3A_100 : memref<1x100xi32, #tpu.memory_space<vmem>> -> memref<100xi32, #tpu.memory_space<vmem>>
      %dma_wait3A_102 = arith.constant 0 : i32
      %dma_wait3A_103 = arith.constant 0 : i32
      %dma_wait3A_104 = tpu.memref_slice %arg2[%dma_wait3A_102, %dma_wait3A_103] : memref<10000x32xf32, #tpu.memory_space<hbm>> -> memref<10000x32xf32, #tpu.memory_space<hbm>>
      tpu.wait_indirect_dma semaphore(%arg12 : memref<!tpu.dma_semaphore, #tpu.memory_space<semaphore_mem>>) src(%dma_wait3A_104 : memref<10000x32xf32, #tpu.memory_space<hbm>>) dst(%dma_wait3A_98 : memref<100x32xf32, #tpu.memory_space<vmem>>)
      %dma_wait3A_105 = arith.constant 0 : i32
      %dma_wait3A_106 = arith.constant 0 : i32
      %dma_wait3A_107 = arith.constant 0 : i32
      %dma_wait3A_108 = tpu.memref_slice %arg11[%dma_wait3A_106, %dma_wait3A_107] : memref<400x32xf32, #tpu.memory_space<vmem>> -> memref<100x32xf32, #tpu.memory_space<vmem>>
      %dma_wait3A_109 = arith.constant 0 : i32
      %dma_wait3A_110 = tpu.memref_slice %arg9[%dma_wait3A_105, %dma_wait3A_109] : memref<4x100xi32, #tpu.memory_space<vmem>> -> memref<1x100xi32, #tpu.memory_space<vmem>>
      %dma_wait3A_111 = tpu.memref_squeeze %dma_wait3A_110 : memref<1x100xi32, #tpu.memory_space<vmem>> -> memref<100xi32, #tpu.memory_space<vmem>>
      %dma_wait3A_112 = arith.constant 0 : i32
      %dma_wait3A_113 = arith.constant 0 : i32
      %dma_wait3A_114 = tpu.memref_slice %arg3[%dma_wait3A_112, %dma_wait3A_113] : memref<10000x32xf32, #tpu.memory_space<hbm>> -> memref<10000x32xf32, #tpu.memory_space<hbm>>
      tpu.wait_indirect_dma semaphore(%arg13 : memref<!tpu.dma_semaphore, #tpu.memory_space<semaphore_mem>>) src(%dma_wait3A_114 : memref<10000x32xf32, #tpu.memory_space<hbm>>) dst(%dma_wait3A_108 : memref<100x32xf32, #tpu.memory_space<vmem>>)
      %dma_wait3A_115 = arith.constant 1 : i32
      %dma_wait3A_116 = arith.constant 100 : i32
      %dma_wait3A_117 = arith.constant 0 : i32
      %dma_wait3A_118 = tpu.memref_slice %arg10[%dma_wait3A_116, %dma_wait3A_117] : memref<400x32xf32, #tpu.memory_space<vmem>> -> memref<100x32xf32, #tpu.memory_space<vmem>>
      %dma_wait3A_119 = arith.constant 0 : i32
      %dma_wait3A_120 = tpu.memref_slice %arg8[%dma_wait3A_115, %dma_wait3A_119] : memref<4x100xi32, #tpu.memory_space<vmem>> -> memref<1x100xi32, #tpu.memory_space<vmem>>
      %dma_wait3A_121 = tpu.memref_squeeze %dma_wait3A_120 : memref<1x100xi32, #tpu.memory_space<vmem>> -> memref<100xi32, #tpu.memory_space<vmem>>
      %dma_wait3A_122 = arith.constant 0 : i32
      %dma_wait3A_123 = arith.constant 0 : i32
      %dma_wait3A_124 = tpu.memref_slice %arg2[%dma_wait3A_122, %dma_wait3A_123] : memref<10000x32xf32, #tpu.memory_space<hbm>> -> memref<10000x32xf32, #tpu.memory_space<hbm>>
      tpu.wait_indirect_dma semaphore(%arg12 : memref<!tpu.dma_semaphore, #tpu.memory_space<semaphore_mem>>) src(%dma_wait3A_124 : memref<10000x32xf32, #tpu.memory_space<hbm>>) dst(%dma_wait3A_118 : memref<100x32xf32, #tpu.memory_space<vmem>>)
      %dma_wait3A_125 = arith.constant 1 : i32
      %dma_wait3A_126 = arith.constant 100 : i32
      %dma_wait3A_127 = arith.constant 0 : i32
      %dma_wait3A_128 = tpu.memref_slice %arg11[%dma_wait3A_126, %dma_wait3A_127] : memref<400x32xf32, #tpu.memory_space<vmem>> -> memref<100x32xf32, #tpu.memory_space<vmem>>
      %dma_wait3A_129 = arith.constant 0 : i32
      %dma_wait3A_130 = tpu.memref_slice %arg9[%dma_wait3A_125, %dma_wait3A_129] : memref<4x100xi32, #tpu.memory_space<vmem>> -> memref<1x100xi32, #tpu.memory_space<vmem>>
      %dma_wait3A_131 = tpu.memref_squeeze %dma_wait3A_130 : memref<1x100xi32, #tpu.memory_space<vmem>> -> memref<100xi32, #tpu.memory_space<vmem>>
      %dma_wait3A_132 = arith.constant 0 : i32
      %dma_wait3A_133 = arith.constant 0 : i32
      %dma_wait3A_134 = tpu.memref_slice %arg3[%dma_wait3A_132, %dma_wait3A_133] : memref<10000x32xf32, #tpu.memory_space<hbm>> -> memref<10000x32xf32, #tpu.memory_space<hbm>>
      tpu.wait_indirect_dma semaphore(%arg13 : memref<!tpu.dma_semaphore, #tpu.memory_space<semaphore_mem>>) src(%dma_wait3A_134 : memref<10000x32xf32, #tpu.memory_space<hbm>>) dst(%dma_wait3A_128 : memref<100x32xf32, #tpu.memory_space<vmem>>)
      %dma_wait3A_135 = arith.constant 2 : i32
      %dma_wait3A_136 = arith.constant 200 : i32
      %dma_wait3A_137 = arith.constant 0 : i32
      %dma_wait3A_138 = tpu.memref_slice %arg10[%dma_wait3A_136, %dma_wait3A_137] : memref<400x32xf32, #tpu.memory_space<vmem>> -> memref<100x32xf32, #tpu.memory_space<vmem>>
      %dma_wait3A_139 = arith.constant 0 : i32
      %dma_wait3A_140 = tpu.memref_slice %arg8[%dma_wait3A_135, %dma_wait3A_139] : memref<4x100xi32, #tpu.memory_space<vmem>> -> memref<1x100xi32, #tpu.memory_space<vmem>>
      %dma_wait3A_141 = tpu.memref_squeeze %dma_wait3A_140 : memref<1x100xi32, #tpu.memory_space<vmem>> -> memref<100xi32, #tpu.memory_space<vmem>>
      %dma_wait3A_142 = arith.constant 0 : i32
      %dma_wait3A_143 = arith.constant 0 : i32
      %dma_wait3A_144 = tpu.memref_slice %arg2[%dma_wait3A_142, %dma_wait3A_143] : memref<10000x32xf32, #tpu.memory_space<hbm>> -> memref<10000x32xf32, #tpu.memory_space<hbm>>
      tpu.wait_indirect_dma semaphore(%arg12 : memref<!tpu.dma_semaphore, #tpu.memory_space<semaphore_mem>>) src(%dma_wait3A_144 : memref<10000x32xf32, #tpu.memory_space<hbm>>) dst(%dma_wait3A_138 : memref<100x32xf32, #tpu.memory_space<vmem>>)
      %dma_wait3A_145 = arith.constant 2 : i32
      %dma_wait3A_146 = arith.constant 200 : i32
      %dma_wait3A_147 = arith.constant 0 : i32
      %dma_wait3A_148 = tpu.memref_slice %arg11[%dma_wait3A_146, %dma_wait3A_147] : memref<400x32xf32, #tpu.memory_space<vmem>> -> memref<100x32xf32, #tpu.memory_space<vmem>>
      %dma_wait3A_149 = arith.constant 0 : i32
      %dma_wait3A_150 = tpu.memref_slice %arg9[%dma_wait3A_145, %dma_wait3A_149] : memref<4x100xi32, #tpu.memory_space<vmem>> -> memref<1x100xi32, #tpu.memory_space<vmem>>
      %dma_wait3A_151 = tpu.memref_squeeze %dma_wait3A_150 : memref<1x100xi32, #tpu.memory_space<vmem>> -> memref<100xi32, #tpu.memory_space<vmem>>
      %dma_wait3A_152 = arith.constant 0 : i32
      %dma_wait3A_153 = arith.constant 0 : i32
      %dma_wait3A_154 = tpu.memref_slice %arg3[%dma_wait3A_152, %dma_wait3A_153] : memref<10000x32xf32, #tpu.memory_space<hbm>> -> memref<10000x32xf32, #tpu.memory_space<hbm>>
      tpu.wait_indirect_dma semaphore(%arg13 : memref<!tpu.dma_semaphore, #tpu.memory_space<semaphore_mem>>) src(%dma_wait3A_154 : memref<10000x32xf32, #tpu.memory_space<hbm>>) dst(%dma_wait3A_148 : memref<100x32xf32, #tpu.memory_space<vmem>>)
      %dma_wait3A_155 = arith.constant 3 : i32
      %dma_wait3A_156 = arith.constant 300 : i32
      %dma_wait3A_157 = arith.constant 0 : i32
      %dma_wait3A_158 = tpu.memref_slice %arg10[%dma_wait3A_156, %dma_wait3A_157] : memref<400x32xf32, #tpu.memory_space<vmem>> -> memref<100x32xf32, #tpu.memory_space<vmem>>
      %dma_wait3A_159 = arith.constant 0 : i32
      %dma_wait3A_160 = tpu.memref_slice %arg8[%dma_wait3A_155, %dma_wait3A_159] : memref<4x100xi32, #tpu.memory_space<vmem>> -> memref<1x100xi32, #tpu.memory_space<vmem>>
      %dma_wait3A_161 = tpu.memref_squeeze %dma_wait3A_160 : memref<1x100xi32, #tpu.memory_space<vmem>> -> memref<100xi32, #tpu.memory_space<vmem>>
      %dma_wait3A_162 = arith.constant 0 : i32
      %dma_wait3A_163 = arith.constant 0 : i32
      %dma_wait3A_164 = tpu.memref_slice %arg2[%dma_wait3A_162, %dma_wait3A_163] : memref<10000x32xf32, #tpu.memory_space<hbm>> -> memref<10000x32xf32, #tpu.memory_space<hbm>>
      tpu.wait_indirect_dma semaphore(%arg12 : memref<!tpu.dma_semaphore, #tpu.memory_space<semaphore_mem>>) src(%dma_wait3A_164 : memref<10000x32xf32, #tpu.memory_space<hbm>>) dst(%dma_wait3A_158 : memref<100x32xf32, #tpu.memory_space<vmem>>)
      %dma_wait3A_165 = arith.constant 3 : i32
      %dma_wait3A_166 = arith.constant 300 : i32
      %dma_wait3A_167 = arith.constant 0 : i32
      %dma_wait3A_168 = tpu.memref_slice %arg11[%dma_wait3A_166, %dma_wait3A_167] : memref<400x32xf32, #tpu.memory_space<vmem>> -> memref<100x32xf32, #tpu.memory_space<vmem>>
      %dma_wait3A_169 = arith.constant 0 : i32
      %dma_wait3A_170 = tpu.memref_slice %arg9[%dma_wait3A_165, %dma_wait3A_169] : memref<4x100xi32, #tpu.memory_space<vmem>> -> memref<1x100xi32, #tpu.memory_space<vmem>>
      %dma_wait3A_171 = tpu.memref_squeeze %dma_wait3A_170 : memref<1x100xi32, #tpu.memory_space<vmem>> -> memref<100xi32, #tpu.memory_space<vmem>>
      %dma_wait3A_172 = arith.constant 0 : i32
      %dma_wait3A_173 = arith.constant 0 : i32
      %dma_wait3A_174 = tpu.memref_slice %arg3[%dma_wait3A_172, %dma_wait3A_173] : memref<10000x32xf32, #tpu.memory_space<hbm>> -> memref<10000x32xf32, #tpu.memory_space<hbm>>
      tpu.wait_indirect_dma semaphore(%arg13 : memref<!tpu.dma_semaphore, #tpu.memory_space<semaphore_mem>>) src(%dma_wait3A_174 : memref<10000x32xf32, #tpu.memory_space<hbm>>) dst(%dma_wait3A_168 : memref<100x32xf32, #tpu.memory_space<vmem>>)
      "tpu.region"() ({
        %run_scoped3A = tpu.sem_alloc : memref<!tpu.dma_semaphore, #tpu.memory_space<semaphore_mem>>
        %dma_start3A_175 = arith.constant 0 : i32
        %dma_start3A_176 = tpu.memref_slice %arg6[%add3A_16, %dma_start3A_175] : memref<320000x32xf32, #tpu.memory_space<hbm>> -> memref<400x32xf32, #tpu.memory_space<hbm>>
        %dma_start3A_177 = arith.constant 0 : i32
        %dma_start3A_178 = tpu.memref_slice %arg6[%add3A_16, %dma_start3A_177] : memref<320000x32xf32, #tpu.memory_space<hbm>> -> memref<400x32xf32, #tpu.memory_space<hbm>>
        tpu.enqueue_dma source(%arg10 : memref<400x32xf32, #tpu.memory_space<vmem>>) target(%dma_start3A_178 : memref<400x32xf32, #tpu.memory_space<hbm>>) target_semaphore(%run_scoped3A : memref<!tpu.dma_semaphore, #tpu.memory_space<semaphore_mem>>)
        %dma_wait3A_179 = arith.constant 0 : i32
        %dma_wait3A_180 = tpu.memref_slice %arg6[%add3A_16, %dma_wait3A_179] : memref<320000x32xf32, #tpu.memory_space<hbm>> -> memref<400x32xf32, #tpu.memory_space<hbm>>
        %dma_wait3A_181 = arith.constant 0 : i32
        %dma_wait3A_182 = tpu.memref_slice %arg6[%add3A_16, %dma_wait3A_181] : memref<320000x32xf32, #tpu.memory_space<hbm>> -> memref<400x32xf32, #tpu.memory_space<hbm>>
        tpu.wait_dma2 semaphore(%run_scoped3A : memref<!tpu.dma_semaphore, #tpu.memory_space<semaphore_mem>>) src(%arg10 : memref<400x32xf32, #tpu.memory_space<vmem>>) dst(%dma_wait3A_182 : memref<400x32xf32, #tpu.memory_space<hbm>>)
        tpu.yield
      }) : () -> ()
      "tpu.region"() ({
        %run_scoped3A = tpu.sem_alloc : memref<!tpu.dma_semaphore, #tpu.memory_space<semaphore_mem>>
        %dma_start3A_175 = arith.constant 0 : i32
        %dma_start3A_176 = tpu.memref_slice %arg7[%add3A_16, %dma_start3A_175] : memref<320000x32xf32, #tpu.memory_space<hbm>> -> memref<400x32xf32, #tpu.memory_space<hbm>>
        %dma_start3A_177 = arith.constant 0 : i32
        %dma_start3A_178 = tpu.memref_slice %arg7[%add3A_16, %dma_start3A_177] : memref<320000x32xf32, #tpu.memory_space<hbm>> -> memref<400x32xf32, #tpu.memory_space<hbm>>
        tpu.enqueue_dma source(%arg11 : memref<400x32xf32, #tpu.memory_space<vmem>>) target(%dma_start3A_178 : memref<400x32xf32, #tpu.memory_space<hbm>>) target_semaphore(%run_scoped3A : memref<!tpu.dma_semaphore, #tpu.memory_space<semaphore_mem>>)
        %dma_wait3A_179 = arith.constant 0 : i32
        %dma_wait3A_180 = tpu.memref_slice %arg7[%add3A_16, %dma_wait3A_179] : memref<320000x32xf32, #tpu.memory_space<hbm>> -> memref<400x32xf32, #tpu.memory_space<hbm>>
        %dma_wait3A_181 = arith.constant 0 : i32
        %dma_wait3A_182 = tpu.memref_slice %arg7[%add3A_16, %dma_wait3A_181] : memref<320000x32xf32, #tpu.memory_space<hbm>> -> memref<400x32xf32, #tpu.memory_space<hbm>>
        tpu.wait_dma2 semaphore(%run_scoped3A : memref<!tpu.dma_semaphore, #tpu.memory_space<semaphore_mem>>) src(%arg11 : memref<400x32xf32, #tpu.memory_space<vmem>>) dst(%dma_wait3A_182 : memref<400x32xf32, #tpu.memory_space<hbm>>)
        tpu.yield
      }) : () -> ()
    }
    %scan3A_5 = arith.constant 25 : i32
    return
  }
}

module attributes {stable_mosaic.version = 14 : i64} {
  func.func @_node_prep_body(%arg0: i32, %arg1: memref<1000x128xf32, #tpu.memory_space<vmem>>, %arg2: memref<128x32xf32, #tpu.memory_space<vmem>>, %arg3: memref<1x32xf32, #tpu.memory_space<vmem>>, %arg4: memref<32x32xf32, #tpu.memory_space<vmem>>, %arg5: memref<1x32xf32, #tpu.memory_space<vmem>>, %arg6: memref<32x32xf32, #tpu.memory_space<vmem>>, %arg7: memref<1x32xf32, #tpu.memory_space<vmem>>, %arg8: memref<32x32xf32, #tpu.memory_space<vmem>>, %arg9: memref<1x32xf32, #tpu.memory_space<vmem>>, %arg10: memref<1000x32xf32, #tpu.memory_space<vmem>>, %arg11: memref<1000x32xf32, #tpu.memory_space<vmem>>, %arg12: memref<1000x32xf32, #tpu.memory_space<vmem>>) attributes {dimension_semantics = [#tpu.dimension_semantics<arbitrary>], iteration_bounds = array<i64: 10>, scalar_prefetch = 0 : i64, scratch_operands = 0 : i64, tpu.core_type = #tpu.core_type<tc>, window_params = [{transform_indices = @transform_0, window_bounds = array<i64: 1000, 128>}, {pipeline_mode = #tpu.pipeline_mode<synchronous>, transform_indices = @transform_1, window_bounds = array<i64: 128, 32>}, {pipeline_mode = #tpu.pipeline_mode<synchronous>, transform_indices = @transform_2, window_bounds = array<i64: 1, 32>}, {pipeline_mode = #tpu.pipeline_mode<synchronous>, transform_indices = @transform_3, window_bounds = array<i64: 32, 32>}, {pipeline_mode = #tpu.pipeline_mode<synchronous>, transform_indices = @transform_4, window_bounds = array<i64: 1, 32>}, {pipeline_mode = #tpu.pipeline_mode<synchronous>, transform_indices = @transform_5, window_bounds = array<i64: 32, 32>}, {pipeline_mode = #tpu.pipeline_mode<synchronous>, transform_indices = @transform_6, window_bounds = array<i64: 1, 32>}, {pipeline_mode = #tpu.pipeline_mode<synchronous>, transform_indices = @transform_7, window_bounds = array<i64: 32, 32>}, {pipeline_mode = #tpu.pipeline_mode<synchronous>, transform_indices = @transform_8, window_bounds = array<i64: 1, 32>}, {transform_indices = @transform_9, window_bounds = array<i64: 1000, 32>}, {transform_indices = @transform_10, window_bounds = array<i64: 1000, 32>}, {transform_indices = @transform_11, window_bounds = array<i64: 1000, 32>}]} {
    %get3A = arith.constant 0 : index
    %get3A_0 = arith.constant 0 : index
    %get3A_1 = vector.load %arg1[%get3A, %get3A_0] : memref<1000x128xf32, #tpu.memory_space<vmem>>, vector<1000x128xf32>
    %get3A_2 = arith.constant 0 : index
    %get3A_3 = arith.constant 0 : index
    %get3A_4 = vector.load %arg2[%get3A_2, %get3A_3] : memref<128x32xf32, #tpu.memory_space<vmem>>, vector<128x32xf32>
    %dot_general3A = arith.constant dense<0.000000e+00> : vector<1000x32xf32>
    %dot_general3A_5 = tpu.matmul %get3A_1, %get3A_4, %dot_general3A {dimension_numbers = #tpu.dot_dimension_numbers<[1], [0], [0], [1], [0, 0, 1, 1], [], []>, transpose_lhs_hint = false} : vector<1000x128xf32>, vector<128x32xf32>, vector<1000x32xf32> -> vector<1000x32xf32>
    %get3A_6 = arith.constant 0 : index
    %get3A_7 = arith.constant 0 : index
    %get3A_8 = vector.load %arg3[%get3A_6, %get3A_7] : memref<1x32xf32, #tpu.memory_space<vmem>>, vector<1x32xf32>
    %add3A = vector.broadcast %get3A_8 : vector<1x32xf32> to vector<1000x32xf32>
    %add3A_9 = arith.addf %dot_general3A_5, %add3A : vector<1000x32xf32>
    %max3A = arith.constant 0.000000e+00 : f32
    %max3A_10 = vector.broadcast %max3A : f32 to vector<1000x32xf32>
    %max3A_11 = arith.maximumf %add3A_9, %max3A_10 : vector<1000x32xf32>
    %get3A_12 = arith.constant 0 : index
    %get3A_13 = arith.constant 0 : index
    %get3A_14 = vector.load %arg4[%get3A_12, %get3A_13] : memref<32x32xf32, #tpu.memory_space<vmem>>, vector<32x32xf32>
    %dot_general3A_15 = arith.constant dense<0.000000e+00> : vector<1000x32xf32>
    %dot_general3A_16 = tpu.matmul %max3A_11, %get3A_14, %dot_general3A_15 {dimension_numbers = #tpu.dot_dimension_numbers<[1], [0], [0], [1], [0, 0, 1, 1], [], []>, transpose_lhs_hint = false} : vector<1000x32xf32>, vector<32x32xf32>, vector<1000x32xf32> -> vector<1000x32xf32>
    %get3A_17 = arith.constant 0 : index
    %get3A_18 = arith.constant 0 : index
    %get3A_19 = vector.load %arg5[%get3A_17, %get3A_18] : memref<1x32xf32, #tpu.memory_space<vmem>>, vector<1x32xf32>
    %add3A_20 = vector.broadcast %get3A_19 : vector<1x32xf32> to vector<1000x32xf32>
    %add3A_21 = arith.addf %dot_general3A_16, %add3A_20 : vector<1000x32xf32>
    %swap3A = arith.constant 0 : index
    %swap3A_22 = arith.constant 0 : index
    %swap3A_23 = vector.load %arg10[%swap3A, %swap3A_22] : memref<1000x32xf32, #tpu.memory_space<vmem>>, vector<1000x32xf32>
    tpu.vector_store %arg10[%swap3A, %swap3A_22], %add3A_21 {strides = array<i32>} : memref<1000x32xf32, #tpu.memory_space<vmem>>, vector<1000x32xf32>,
    %get3A_24 = arith.constant 0 : index
    %get3A_25 = arith.constant 0 : index
    %get3A_26 = vector.load %arg6[%get3A_24, %get3A_25] : memref<32x32xf32, #tpu.memory_space<vmem>>, vector<32x32xf32>
    %dot_general3A_27 = arith.constant dense<0.000000e+00> : vector<1000x32xf32>
    %dot_general3A_28 = tpu.matmul %max3A_11, %get3A_26, %dot_general3A_27 {dimension_numbers = #tpu.dot_dimension_numbers<[1], [0], [0], [1], [0, 0, 1, 1], [], []>, transpose_lhs_hint = false} : vector<1000x32xf32>, vector<32x32xf32>, vector<1000x32xf32> -> vector<1000x32xf32>
    %get3A_29 = arith.constant 0 : index
    %get3A_30 = arith.constant 0 : index
    %get3A_31 = vector.load %arg7[%get3A_29, %get3A_30] : memref<1x32xf32, #tpu.memory_space<vmem>>, vector<1x32xf32>
    %add3A_32 = vector.broadcast %get3A_31 : vector<1x32xf32> to vector<1000x32xf32>
    %add3A_33 = arith.addf %dot_general3A_28, %add3A_32 : vector<1000x32xf32>
    %swap3A_34 = arith.constant 0 : index
    %swap3A_35 = arith.constant 0 : index
    %swap3A_36 = vector.load %arg11[%swap3A_34, %swap3A_35] : memref<1000x32xf32, #tpu.memory_space<vmem>>, vector<1000x32xf32>
    tpu.vector_store %arg11[%swap3A_34, %swap3A_35], %add3A_33 {strides = array<i32>} : memref<1000x32xf32, #tpu.memory_space<vmem>>, vector<1000x32xf32>,
    %get3A_37 = arith.constant 0 : index
    %get3A_38 = arith.constant 0 : index
    %get3A_39 = vector.load %arg8[%get3A_37, %get3A_38] : memref<32x32xf32, #tpu.memory_space<vmem>>, vector<32x32xf32>
    %dot_general3A_40 = arith.constant dense<0.000000e+00> : vector<1000x32xf32>
    %dot_general3A_41 = tpu.matmul %max3A_11, %get3A_39, %dot_general3A_40 {dimension_numbers = #tpu.dot_dimension_numbers<[1], [0], [0], [1], [0, 0, 1, 1], [], []>, transpose_lhs_hint = false} : vector<1000x32xf32>, vector<32x32xf32>, vector<1000x32xf32> -> vector<1000x32xf32>
    %get3A_42 = arith.constant 0 : index
    %get3A_43 = arith.constant 0 : index
    %get3A_44 = vector.load %arg9[%get3A_42, %get3A_43] : memref<1x32xf32, #tpu.memory_space<vmem>>, vector<1x32xf32>
    %add3A_45 = vector.broadcast %get3A_44 : vector<1x32xf32> to vector<1000x32xf32>
    %add3A_46 = arith.addf %dot_general3A_41, %add3A_45 : vector<1000x32xf32>
    %swap3A_47 = arith.constant 0 : index
    %swap3A_48 = arith.constant 0 : index
    %swap3A_49 = vector.load %arg12[%swap3A_47, %swap3A_48] : memref<1000x32xf32, #tpu.memory_space<vmem>>, vector<1000x32xf32>
    tpu.vector_store %arg12[%swap3A_47, %swap3A_48], %add3A_46 {strides = array<i32>} : memref<1000x32xf32, #tpu.memory_space<vmem>>, vector<1000x32xf32>,
    return
  }
  func.func @transform_0(%arg0: i32) -> (i32, i32) {
    %c0_i32 = arith.constant 0 : i32
    %c0_i32_0 = arith.constant 0 : i32
    return %arg0, %c0_i32 : i32, i32
  }
  func.func @transform_1(%arg0: i32) -> (i32, i32) {
    %c0_i32 = arith.constant 0 : i32
    %c0_i32_0 = arith.constant 0 : i32
    %c0_i32_1 = arith.constant 0 : i32
    return %c0_i32, %c0_i32_0 : i32, i32
  }
  func.func @transform_2(%arg0: i32) -> (i32, i32) {
    %c0_i32 = arith.constant 0 : i32
    %c0_i32_0 = arith.constant 0 : i32
    %c0_i32_1 = arith.constant 0 : i32
    return %c0_i32, %c0_i32_0 : i32, i32
  }
  func.func @transform_3(%arg0: i32) -> (i32, i32) {
    %c0_i32 = arith.constant 0 : i32
    %c0_i32_0 = arith.constant 0 : i32
    %c0_i32_1 = arith.constant 0 : i32
    return %c0_i32, %c0_i32_0 : i32, i32
  }
  func.func @transform_4(%arg0: i32) -> (i32, i32) {
    %c0_i32 = arith.constant 0 : i32
    %c0_i32_0 = arith.constant 0 : i32
    %c0_i32_1 = arith.constant 0 : i32
    return %c0_i32, %c0_i32_0 : i32, i32
  }
  func.func @transform_5(%arg0: i32) -> (i32, i32) {
    %c0_i32 = arith.constant 0 : i32
    %c0_i32_0 = arith.constant 0 : i32
    %c0_i32_1 = arith.constant 0 : i32
    return %c0_i32, %c0_i32_0 : i32, i32
  }
  func.func @transform_6(%arg0: i32) -> (i32, i32) {
    %c0_i32 = arith.constant 0 : i32
    %c0_i32_0 = arith.constant 0 : i32
    %c0_i32_1 = arith.constant 0 : i32
    return %c0_i32, %c0_i32_0 : i32, i32
  }
  func.func @transform_7(%arg0: i32) -> (i32, i32) {
    %c0_i32 = arith.constant 0 : i32
    %c0_i32_0 = arith.constant 0 : i32
    %c0_i32_1 = arith.constant 0 : i32
    return %c0_i32, %c0_i32_0 : i32, i32
  }
  func.func @transform_8(%arg0: i32) -> (i32, i32) {
    %c0_i32 = arith.constant 0 : i32
    %c0_i32_0 = arith.constant 0 : i32
    %c0_i32_1 = arith.constant 0 : i32
    return %c0_i32, %c0_i32_0 : i32, i32
  }
  func.func @transform_9(%arg0: i32) -> (i32, i32) {
    %c0_i32 = arith.constant 0 : i32
    %c0_i32_0 = arith.constant 0 : i32
    return %arg0, %c0_i32 : i32, i32
  }
  func.func @transform_10(%arg0: i32) -> (i32, i32) {
    %c0_i32 = arith.constant 0 : i32
    %c0_i32_0 = arith.constant 0 : i32
    return %arg0, %c0_i32 : i32, i32
  }
  func.func @transform_11(%arg0: i32) -> (i32, i32) {
    %c0_i32 = arith.constant 0 : i32
    %c0_i32_0 = arith.constant 0 : i32
    return %arg0, %c0_i32 : i32, i32
  }
}

module attributes {stable_mosaic.version = 14 : i64} {
  func.func @_edge_main_body(%arg0: i32, %arg1: memref<2000x16xf32, #tpu.memory_space<vmem>>, %arg2: memref<2000x32xf32, #tpu.memory_space<vmem>>, %arg3: memref<2000x32xf32, #tpu.memory_space<vmem>>, %arg4: memref<2000x1xf32, #tpu.memory_space<vmem>>, %arg5: memref<16x32xf32, #tpu.memory_space<vmem>>, %arg6: memref<1x32xf32, #tpu.memory_space<vmem>>, %arg7: memref<32x32xf32, #tpu.memory_space<vmem>>, %arg8: memref<1x32xf32, #tpu.memory_space<vmem>>, %arg9: memref<32x32xf32, #tpu.memory_space<vmem>>, %arg10: memref<1x32xf32, #tpu.memory_space<vmem>>, %arg11: memref<32x128xf32, #tpu.memory_space<vmem>>, %arg12: memref<1x128xf32, #tpu.memory_space<vmem>>, %arg13: memref<2000x128xf32, #tpu.memory_space<vmem>>, %arg14: memref<2000x48xf32, #tpu.memory_space<vmem>>) attributes {dimension_semantics = [#tpu.dimension_semantics<arbitrary>], iteration_bounds = array<i64: 160>, scalar_prefetch = 0 : i64, scratch_operands = 0 : i64, tpu.core_type = #tpu.core_type<tc>, window_params = [{transform_indices = @transform_0, window_bounds = array<i64: 2000, 16>}, {transform_indices = @transform_1, window_bounds = array<i64: 2000, 32>}, {transform_indices = @transform_2, window_bounds = array<i64: 2000, 32>}, {transform_indices = @transform_3, window_bounds = array<i64: 2000, 1>}, {pipeline_mode = #tpu.pipeline_mode<synchronous>, transform_indices = @transform_4, window_bounds = array<i64: 16, 32>}, {pipeline_mode = #tpu.pipeline_mode<synchronous>, transform_indices = @transform_5, window_bounds = array<i64: 1, 32>}, {pipeline_mode = #tpu.pipeline_mode<synchronous>, transform_indices = @transform_6, window_bounds = array<i64: 32, 32>}, {pipeline_mode = #tpu.pipeline_mode<synchronous>, transform_indices = @transform_7, window_bounds = array<i64: 1, 32>}, {pipeline_mode = #tpu.pipeline_mode<synchronous>, transform_indices = @transform_8, window_bounds = array<i64: 32, 32>}, {pipeline_mode = #tpu.pipeline_mode<synchronous>, transform_indices = @transform_9, window_bounds = array<i64: 1, 32>}, {pipeline_mode = #tpu.pipeline_mode<synchronous>, transform_indices = @transform_10, window_bounds = array<i64: 32, 128>}, {pipeline_mode = #tpu.pipeline_mode<synchronous>, transform_indices = @transform_11, window_bounds = array<i64: 1, 128>}, {transform_indices = @transform_12, window_bounds = array<i64: 2000, 128>}, {transform_indices = @transform_13, window_bounds = array<i64: 2000, 48>}]} {
    %get3A = arith.constant 0 : index
    %get3A_0 = arith.constant 0 : index
    %get3A_1 = vector.load %arg1[%get3A, %get3A_0] : memref<2000x16xf32, #tpu.memory_space<vmem>>, vector<2000x16xf32>
    %get3A_2 = arith.constant 0 : index
    %get3A_3 = arith.constant 0 : index
    %get3A_4 = vector.load %arg5[%get3A_2, %get3A_3] : memref<16x32xf32, #tpu.memory_space<vmem>>, vector<16x32xf32>
    %dot_general3A = arith.constant dense<0.000000e+00> : vector<2000x32xf32>
    %dot_general3A_5 = tpu.matmul %get3A_1, %get3A_4, %dot_general3A {dimension_numbers = #tpu.dot_dimension_numbers<[1], [0], [0], [1], [0, 0, 1, 1], [], []>, transpose_lhs_hint = false} : vector<2000x16xf32>, vector<16x32xf32>, vector<2000x32xf32> -> vector<2000x32xf32>
    %get3A_6 = arith.constant 0 : index
    %get3A_7 = arith.constant 0 : index
    %get3A_8 = vector.load %arg6[%get3A_6, %get3A_7] : memref<1x32xf32, #tpu.memory_space<vmem>>, vector<1x32xf32>
    %add3A = vector.broadcast %get3A_8 : vector<1x32xf32> to vector<2000x32xf32>
    %add3A_9 = arith.addf %dot_general3A_5, %add3A : vector<2000x32xf32>
    %max3A = arith.constant 0.000000e+00 : f32
    %max3A_10 = vector.broadcast %max3A : f32 to vector<2000x32xf32>
    %max3A_11 = arith.maximumf %add3A_9, %max3A_10 : vector<2000x32xf32>
    %get3A_12 = arith.constant 0 : index
    %get3A_13 = arith.constant 0 : index
    %get3A_14 = vector.load %arg7[%get3A_12, %get3A_13] : memref<32x32xf32, #tpu.memory_space<vmem>>, vector<32x32xf32>
    %dot_general3A_15 = arith.constant dense<0.000000e+00> : vector<2000x32xf32>
    %dot_general3A_16 = tpu.matmul %max3A_11, %get3A_14, %dot_general3A_15 {dimension_numbers = #tpu.dot_dimension_numbers<[1], [0], [0], [1], [0, 0, 1, 1], [], []>, transpose_lhs_hint = false} : vector<2000x32xf32>, vector<32x32xf32>, vector<2000x32xf32> -> vector<2000x32xf32>
    %get3A_17 = arith.constant 0 : index
    %get3A_18 = arith.constant 0 : index
    %get3A_19 = vector.load %arg8[%get3A_17, %get3A_18] : memref<1x32xf32, #tpu.memory_space<vmem>>, vector<1x32xf32>
    %add3A_20 = vector.broadcast %get3A_19 : vector<1x32xf32> to vector<2000x32xf32>
    %add3A_21 = arith.addf %dot_general3A_16, %add3A_20 : vector<2000x32xf32>
    %get3A_22 = arith.constant 0 : index
    %get3A_23 = arith.constant 0 : index
    %get3A_24 = vector.load %arg2[%get3A_22, %get3A_23] : memref<2000x32xf32, #tpu.memory_space<vmem>>, vector<2000x32xf32>
    %add3A_25 = arith.addf %add3A_21, %get3A_24 : vector<2000x32xf32>
    %get3A_26 = arith.constant 0 : index
    %get3A_27 = arith.constant 0 : index
    %get3A_28 = vector.load %arg3[%get3A_26, %get3A_27] : memref<2000x32xf32, #tpu.memory_space<vmem>>, vector<2000x32xf32>
    %add3A_29 = arith.addf %add3A_25, %get3A_28 : vector<2000x32xf32>
    %max3A_30 = arith.constant 0.000000e+00 : f32
    %max3A_31 = vector.broadcast %max3A_30 : f32 to vector<2000x32xf32>
    %max3A_32 = arith.maximumf %add3A_29, %max3A_31 : vector<2000x32xf32>
    %get3A_33 = arith.constant 0 : index
    %get3A_34 = arith.constant 0 : index
    %get3A_35 = vector.load %arg9[%get3A_33, %get3A_34] : memref<32x32xf32, #tpu.memory_space<vmem>>, vector<32x32xf32>
    %dot_general3A_36 = arith.constant dense<0.000000e+00> : vector<2000x32xf32>
    %dot_general3A_37 = tpu.matmul %max3A_32, %get3A_35, %dot_general3A_36 {dimension_numbers = #tpu.dot_dimension_numbers<[1], [0], [0], [1], [0, 0, 1, 1], [], []>, transpose_lhs_hint = false} : vector<2000x32xf32>, vector<32x32xf32>, vector<2000x32xf32> -> vector<2000x32xf32>
    %get3A_38 = arith.constant 0 : index
    %get3A_39 = arith.constant 0 : index
    %get3A_40 = vector.load %arg10[%get3A_38, %get3A_39] : memref<1x32xf32, #tpu.memory_space<vmem>>, vector<1x32xf32>
    %add3A_41 = vector.broadcast %get3A_40 : vector<1x32xf32> to vector<2000x32xf32>
    %add3A_42 = arith.addf %dot_general3A_37, %add3A_41 : vector<2000x32xf32>
    %max3A_43 = arith.constant 0.000000e+00 : f32
    %max3A_44 = vector.broadcast %max3A_43 : f32 to vector<2000x32xf32>
    %max3A_45 = arith.maximumf %add3A_42, %max3A_44 : vector<2000x32xf32>
    %get3A_46 = arith.constant 0 : index
    %get3A_47 = arith.constant 0 : index
    %get3A_48 = vector.load %arg11[%get3A_46, %get3A_47] : memref<32x128xf32, #tpu.memory_space<vmem>>, vector<32x128xf32>
    %dot_general3A_49 = arith.constant dense<0.000000e+00> : vector<2000x128xf32>
    %dot_general3A_50 = tpu.matmul %max3A_45, %get3A_48, %dot_general3A_49 {dimension_numbers = #tpu.dot_dimension_numbers<[1], [0], [0], [1], [0, 0, 1, 1], [], []>, transpose_lhs_hint = false} : vector<2000x32xf32>, vector<32x128xf32>, vector<2000x128xf32> -> vector<2000x128xf32>
    %get3A_51 = arith.constant 0 : index
    %get3A_52 = arith.constant 0 : index
    %get3A_53 = vector.load %arg12[%get3A_51, %get3A_52] : memref<1x128xf32, #tpu.memory_space<vmem>>, vector<1x128xf32>
    %add3A_54 = vector.broadcast %get3A_53 : vector<1x128xf32> to vector<2000x128xf32>
    %add3A_55 = arith.addf %dot_general3A_50, %add3A_54 : vector<2000x128xf32>
    %swap3A = arith.constant 0 : index
    %swap3A_56 = arith.constant 0 : index
    %swap3A_57 = vector.load %arg13[%swap3A, %swap3A_56] : memref<2000x128xf32, #tpu.memory_space<vmem>>, vector<2000x128xf32>
    tpu.vector_store %arg13[%swap3A, %swap3A_56], %add3A_55 {strides = array<i32>} : memref<2000x128xf32, #tpu.memory_space<vmem>>, vector<2000x128xf32>,
    %get3A_58 = arith.constant 0 : index
    %get3A_59 = arith.constant 0 : index
    %get3A_60 = vector.load %arg4[%get3A_58, %get3A_59] : memref<2000x1xf32, #tpu.memory_space<vmem>>, vector<2000x1xf32>
    %mul3A = vector.broadcast %get3A_60 : vector<2000x1xf32> to vector<2000x32xf32>
    %mul3A_61 = arith.mulf %max3A_32, %mul3A : vector<2000x32xf32>
    %broadcast_in_dim3A = arith.constant 0.000000e+00 : f32
    %broadcast_in_dim3A_62 = vector.broadcast %broadcast_in_dim3A : f32 to vector<2000x15xf32>
    %concatenate3A = tpu.concatenate %mul3A_61, %get3A_60, %broadcast_in_dim3A_62 in 1 : vector<2000x32xf32>, vector<2000x1xf32>, vector<2000x15xf32> -> vector<2000x48xf32>
    %swap3A_63 = arith.constant 0 : index
    %swap3A_64 = arith.constant 0 : index
    %swap3A_65 = vector.load %arg14[%swap3A_63, %swap3A_64] : memref<2000x48xf32, #tpu.memory_space<vmem>>, vector<2000x48xf32>
    tpu.vector_store %arg14[%swap3A_63, %swap3A_64], %concatenate3A {strides = array<i32>} : memref<2000x48xf32, #tpu.memory_space<vmem>>, vector<2000x48xf32>,
    return
  }
  func.func @transform_0(%arg0: i32) -> (i32, i32) {
    %c0_i32 = arith.constant 0 : i32
    %c0_i32_0 = arith.constant 0 : i32
    return %arg0, %c0_i32 : i32, i32
  }
  func.func @transform_1(%arg0: i32) -> (i32, i32) {
    %c0_i32 = arith.constant 0 : i32
    %c0_i32_0 = arith.constant 0 : i32
    return %arg0, %c0_i32 : i32, i32
  }
  func.func @transform_2(%arg0: i32) -> (i32, i32) {
    %c0_i32 = arith.constant 0 : i32
    %c0_i32_0 = arith.constant 0 : i32
    return %arg0, %c0_i32 : i32, i32
  }
  func.func @transform_3(%arg0: i32) -> (i32, i32) {
    %c0_i32 = arith.constant 0 : i32
    %c0_i32_0 = arith.constant 0 : i32
    return %arg0, %c0_i32 : i32, i32
  }
  func.func @transform_4(%arg0: i32) -> (i32, i32) {
    %c0_i32 = arith.constant 0 : i32
    %c0_i32_0 = arith.constant 0 : i32
    %c0_i32_1 = arith.constant 0 : i32
    return %c0_i32, %c0_i32_0 : i32, i32
  }
  func.func @transform_5(%arg0: i32) -> (i32, i32) {
    %c0_i32 = arith.constant 0 : i32
    %c0_i32_0 = arith.constant 0 : i32
    %c0_i32_1 = arith.constant 0 : i32
    return %c0_i32, %c0_i32_0 : i32, i32
  }
  func.func @transform_6(%arg0: i32) -> (i32, i32) {
    %c0_i32 = arith.constant 0 : i32
    %c0_i32_0 = arith.constant 0 : i32
    %c0_i32_1 = arith.constant 0 : i32
    return %c0_i32, %c0_i32_0 : i32, i32
  }
  func.func @transform_7(%arg0: i32) -> (i32, i32) {
    %c0_i32 = arith.constant 0 : i32
    %c0_i32_0 = arith.constant 0 : i32
    %c0_i32_1 = arith.constant 0 : i32
    return %c0_i32, %c0_i32_0 : i32, i32
  }
  func.func @transform_8(%arg0: i32) -> (i32, i32) {
    %c0_i32 = arith.constant 0 : i32
    %c0_i32_0 = arith.constant 0 : i32
    %c0_i32_1 = arith.constant 0 : i32
    return %c0_i32, %c0_i32_0 : i32, i32
  }
  func.func @transform_9(%arg0: i32) -> (i32, i32) {
    %c0_i32 = arith.constant 0 : i32
    %c0_i32_0 = arith.constant 0 : i32
    %c0_i32_1 = arith.constant 0 : i32
    return %c0_i32, %c0_i32_0 : i32, i32
  }
  func.func @transform_10(%arg0: i32) -> (i32, i32) {
    %c0_i32 = arith.constant 0 : i32
    %c0_i32_0 = arith.constant 0 : i32
    %c0_i32_1 = arith.constant 0 : i32
    return %c0_i32, %c0_i32_0 : i32, i32
  }
  func.func @transform_11(%arg0: i32) -> (i32, i32) {
    %c0_i32 = arith.constant 0 : i32
    %c0_i32_0 = arith.constant 0 : i32
    %c0_i32_1 = arith.constant 0 : i32
    return %c0_i32, %c0_i32_0 : i32, i32
  }
  func.func @transform_12(%arg0: i32) -> (i32, i32) {
    %c0_i32 = arith.constant 0 : i32
    %c0_i32_0 = arith.constant 0 : i32
    return %arg0, %c0_i32 : i32, i32
  }
  func.func @transform_13(%arg0: i32) -> (i32, i32) {
    %c0_i32 = arith.constant 0 : i32
    %c0_i32_0 = arith.constant 0 : i32
    return %arg0, %c0_i32 : i32, i32
  }
}

module attributes {stable_mosaic.version = 14 : i64} {
  func.func @_node_out_body(%arg0: i32, %arg1: memref<1000x32xf32, #tpu.memory_space<vmem>>, %arg2: memref<1000x48xf32, #tpu.memory_space<vmem>>, %arg3: memref<1000x48xf32, #tpu.memory_space<vmem>>, %arg4: memref<32x32xf32, #tpu.memory_space<vmem>>, %arg5: memref<1x32xf32, #tpu.memory_space<vmem>>, %arg6: memref<32x32xf32, #tpu.memory_space<vmem>>, %arg7: memref<1x32xf32, #tpu.memory_space<vmem>>, %arg8: memref<32x128xf32, #tpu.memory_space<vmem>>, %arg9: memref<1x128xf32, #tpu.memory_space<vmem>>, %arg10: memref<1000x128xf32, #tpu.memory_space<vmem>>) attributes {dimension_semantics = [#tpu.dimension_semantics<arbitrary>], iteration_bounds = array<i64: 10>, scalar_prefetch = 0 : i64, scratch_operands = 0 : i64, tpu.core_type = #tpu.core_type<tc>, window_params = [{transform_indices = @transform_0, window_bounds = array<i64: 1000, 32>}, {transform_indices = @transform_1, window_bounds = array<i64: 1000, 48>}, {transform_indices = @transform_2, window_bounds = array<i64: 1000, 48>}, {pipeline_mode = #tpu.pipeline_mode<synchronous>, transform_indices = @transform_3, window_bounds = array<i64: 32, 32>}, {pipeline_mode = #tpu.pipeline_mode<synchronous>, transform_indices = @transform_4, window_bounds = array<i64: 1, 32>}, {pipeline_mode = #tpu.pipeline_mode<synchronous>, transform_indices = @transform_5, window_bounds = array<i64: 32, 32>}, {pipeline_mode = #tpu.pipeline_mode<synchronous>, transform_indices = @transform_6, window_bounds = array<i64: 1, 32>}, {pipeline_mode = #tpu.pipeline_mode<synchronous>, transform_indices = @transform_7, window_bounds = array<i64: 32, 128>}, {pipeline_mode = #tpu.pipeline_mode<synchronous>, transform_indices = @transform_8, window_bounds = array<i64: 1, 128>}, {transform_indices = @transform_9, window_bounds = array<i64: 1000, 128>}]} {
    %get3A = arith.constant 0 : index
    %get3A_0 = arith.constant 0 : index
    %get3A_1 = vector.load %arg2[%get3A, %get3A_0] : memref<1000x48xf32, #tpu.memory_space<vmem>>, vector<1000x48xf32>
    %get3A_2 = arith.constant 0 : index
    %get3A_3 = arith.constant 0 : index
    %get3A_4 = vector.load %arg3[%get3A_2, %get3A_3] : memref<1000x48xf32, #tpu.memory_space<vmem>>, vector<1000x48xf32>
    %add3A = arith.addf %get3A_1, %get3A_4 : vector<1000x48xf32>
    %slice3A = vector.extract_strided_slice %add3A {offsets = [0, 0], sizes = [1000, 32], strides = [1, 1]} : vector<1000x48xf32> to vector<1000x32xf32>
    %slice3A_5 = vector.extract_strided_slice %add3A {offsets = [0, 32], sizes = [1000, 1], strides = [1, 1]} : vector<1000x48xf32> to vector<1000x1xf32>
    %get3A_6 = arith.constant 0 : index
    %get3A_7 = arith.constant 0 : index
    %get3A_8 = vector.load %arg1[%get3A_6, %get3A_7] : memref<1000x32xf32, #tpu.memory_space<vmem>>, vector<1000x32xf32>
    %get3A_9 = arith.constant 0 : index
    %get3A_10 = arith.constant 0 : index
    %get3A_11 = vector.load %arg4[%get3A_9, %get3A_10] : memref<32x32xf32, #tpu.memory_space<vmem>>, vector<32x32xf32>
    %dot_general3A = arith.constant dense<0.000000e+00> : vector<1000x32xf32>
    %dot_general3A_12 = tpu.matmul %slice3A, %get3A_11, %dot_general3A {dimension_numbers = #tpu.dot_dimension_numbers<[1], [0], [0], [1], [0, 0, 1, 1], [], []>, transpose_lhs_hint = false} : vector<1000x32xf32>, vector<32x32xf32>, vector<1000x32xf32> -> vector<1000x32xf32>
    %add3A_13 = arith.addf %get3A_8, %dot_general3A_12 : vector<1000x32xf32>
    %get3A_14 = arith.constant 0 : index
    %get3A_15 = arith.constant 0 : index
    %get3A_16 = vector.load %arg5[%get3A_14, %get3A_15] : memref<1x32xf32, #tpu.memory_space<vmem>>, vector<1x32xf32>
    %mul3A = vector.broadcast %slice3A_5 : vector<1000x1xf32> to vector<1000x32xf32>
    %mul3A_17 = vector.broadcast %get3A_16 : vector<1x32xf32> to vector<1000x32xf32>
    %mul3A_18 = arith.mulf %mul3A, %mul3A_17 : vector<1000x32xf32>
    %add3A_19 = arith.addf %add3A_13, %mul3A_18 : vector<1000x32xf32>
    %max3A = arith.constant 0.000000e+00 : f32
    %max3A_20 = vector.broadcast %max3A : f32 to vector<1000x32xf32>
    %max3A_21 = arith.maximumf %add3A_19, %max3A_20 : vector<1000x32xf32>
    %get3A_22 = arith.constant 0 : index
    %get3A_23 = arith.constant 0 : index
    %get3A_24 = vector.load %arg6[%get3A_22, %get3A_23] : memref<32x32xf32, #tpu.memory_space<vmem>>, vector<32x32xf32>
    %dot_general3A_25 = arith.constant dense<0.000000e+00> : vector<1000x32xf32>
    %dot_general3A_26 = tpu.matmul %max3A_21, %get3A_24, %dot_general3A_25 {dimension_numbers = #tpu.dot_dimension_numbers<[1], [0], [0], [1], [0, 0, 1, 1], [], []>, transpose_lhs_hint = false} : vector<1000x32xf32>, vector<32x32xf32>, vector<1000x32xf32> -> vector<1000x32xf32>
    %get3A_27 = arith.constant 0 : index
    %get3A_28 = arith.constant 0 : index
    %get3A_29 = vector.load %arg7[%get3A_27, %get3A_28] : memref<1x32xf32, #tpu.memory_space<vmem>>, vector<1x32xf32>
    %add3A_30 = vector.broadcast %get3A_29 : vector<1x32xf32> to vector<1000x32xf32>
    %add3A_31 = arith.addf %dot_general3A_26, %add3A_30 : vector<1000x32xf32>
    %max3A_32 = arith.constant 0.000000e+00 : f32
    %max3A_33 = vector.broadcast %max3A_32 : f32 to vector<1000x32xf32>
    %max3A_34 = arith.maximumf %add3A_31, %max3A_33 : vector<1000x32xf32>
    %get3A_35 = arith.constant 0 : index
    %get3A_36 = arith.constant 0 : index
    %get3A_37 = vector.load %arg8[%get3A_35, %get3A_36] : memref<32x128xf32, #tpu.memory_space<vmem>>, vector<32x128xf32>
    %dot_general3A_38 = arith.constant dense<0.000000e+00> : vector<1000x128xf32>
    %dot_general3A_39 = tpu.matmul %max3A_34, %get3A_37, %dot_general3A_38 {dimension_numbers = #tpu.dot_dimension_numbers<[1], [0], [0], [1], [0, 0, 1, 1], [], []>, transpose_lhs_hint = false} : vector<1000x32xf32>, vector<32x128xf32>, vector<1000x128xf32> -> vector<1000x128xf32>
    %get3A_40 = arith.constant 0 : index
    %get3A_41 = arith.constant 0 : index
    %get3A_42 = vector.load %arg9[%get3A_40, %get3A_41] : memref<1x128xf32, #tpu.memory_space<vmem>>, vector<1x128xf32>
    %add3A_43 = vector.broadcast %get3A_42 : vector<1x128xf32> to vector<1000x128xf32>
    %add3A_44 = arith.addf %dot_general3A_39, %add3A_43 : vector<1000x128xf32>
    %swap3A = arith.constant 0 : index
    %swap3A_45 = arith.constant 0 : index
    %swap3A_46 = vector.load %arg10[%swap3A, %swap3A_45] : memref<1000x128xf32, #tpu.memory_space<vmem>>, vector<1000x128xf32>
    tpu.vector_store %arg10[%swap3A, %swap3A_45], %add3A_44 {strides = array<i32>} : memref<1000x128xf32, #tpu.memory_space<vmem>>, vector<1000x128xf32>,
    return
  }
  func.func @transform_0(%arg0: i32) -> (i32, i32) {
    %c0_i32 = arith.constant 0 : i32
    %c0_i32_0 = arith.constant 0 : i32
    return %arg0, %c0_i32 : i32, i32
  }
  func.func @transform_1(%arg0: i32) -> (i32, i32) {
    %c0_i32 = arith.constant 0 : i32
    %c0_i32_0 = arith.constant 0 : i32
    return %arg0, %c0_i32 : i32, i32
  }
  func.func @transform_2(%arg0: i32) -> (i32, i32) {
    %add3A = arith.constant 10 : i32
    %add3A_0 = arith.addi %arg0, %add3A : i32
    %c0_i32 = arith.constant 0 : i32
    %c0_i32_1 = arith.constant 0 : i32
    return %add3A_0, %c0_i32 : i32, i32
  }
  func.func @transform_3(%arg0: i32) -> (i32, i32) {
    %c0_i32 = arith.constant 0 : i32
    %c0_i32_0 = arith.constant 0 : i32
    %c0_i32_1 = arith.constant 0 : i32
    return %c0_i32, %c0_i32_0 : i32, i32
  }
  func.func @transform_4(%arg0: i32) -> (i32, i32) {
    %c0_i32 = arith.constant 0 : i32
    %c0_i32_0 = arith.constant 0 : i32
    %c0_i32_1 = arith.constant 0 : i32
    return %c0_i32, %c0_i32_0 : i32, i32
  }
  func.func @transform_5(%arg0: i32) -> (i32, i32) {
    %c0_i32 = arith.constant 0 : i32
    %c0_i32_0 = arith.constant 0 : i32
    %c0_i32_1 = arith.constant 0 : i32
    return %c0_i32, %c0_i32_0 : i32, i32
  }
  func.func @transform_6(%arg0: i32) -> (i32, i32) {
    %c0_i32 = arith.constant 0 : i32
    %c0_i32_0 = arith.constant 0 : i32
    %c0_i32_1 = arith.constant 0 : i32
    return %c0_i32, %c0_i32_0 : i32, i32
  }
  func.func @transform_7(%arg0: i32) -> (i32, i32) {
    %c0_i32 = arith.constant 0 : i32
    %c0_i32_0 = arith.constant 0 : i32
    %c0_i32_1 = arith.constant 0 : i32
    return %c0_i32, %c0_i32_0 : i32, i32
  }
  func.func @transform_8(%arg0: i32) -> (i32, i32) {
    %c0_i32 = arith.constant 0 : i32
    %c0_i32_0 = arith.constant 0 : i32
    %c0_i32_1 = arith.constant 0 : i32
    return %c0_i32, %c0_i32_0 : i32, i32
  }
  func.func @transform_9(%arg0: i32) -> (i32, i32) {
    %c0_i32 = arith.constant 0 : i32
    %c0_i32_0 = arith.constant 0 : i32
    return %arg0, %c0_i32 : i32, i32
  }
}

</mosaic_0001>

<sc_bundles>
// kernel: kernel.10.cloned.1.call-start
scs
__scs_entry_jumppad:
0x0: {  	(pc) =	sbr.rel $0x88, $3  }
0x1: {  	(tag) =	ssettag $0x0;
	lr =	simm.s32 $0x1  }
0x2: {  	[smem:$0x3F85] =	sst lr;
	_ =	strace $0xD0000000  }
0x3: {  	_ = 	snop  }
0x4: {  	_ = 	snop  }
0x5: {  	_ = 	snop  }
0x6: {  	_ = 	snop  }
0x7: {  	_ = 	snop  }
__scs_overlays_trampoline_lowered:
0x8: {  	[smem:$0x3F94] =	sst s0  }
0x9: {  	[smem:$0x3F95] =	sst s1  }
0xa: {  	[smem:$0x3F96] =	sst s2  }
0xb: {  	[smem:$0x3F97] =	sst s3  }
0xc: {  	[smem:$0x3F98] =	sst s4  }
0xd: {  	[smem:$0x3F99] =	sst s5  }
0xe: {  	[smem:$0x3F9A] =	sst s6  }
0xf: {  	[smem:$0x3F9B] =	sst s7  }
0x10: {  	[smem:$0x3F9C] =	sst s8  }
0x11: {  	[smem:$0x3F9D] =	sst s9;
	s0 =	simm.s32 @!p0 $0x0  }
0x12: {  	s1 =	sld [smem:$0x3F83];
	s0 =	simm.s32 @p0 $0x1  }
0x13: {  	[smem:$0x3F9E] =	sst s0;
	s0 =	simm.s32 @!p1 $0x0  }
0x14: {  	s2 =	sld [smem:$0x3F82];
	s0 =	simm.s32 @p1 $0x1  }
0x15: {  	[smem:$0x3F9F] =	sst s0;
	s0 =	simm.s32 @!p2 $0x0  }
0x16: {  	s3 =	sld [smem:$0x3FDB];
	s0 =	simm.s32 @p2 $0x1  }
0x17: {  	s4 =	simm.s32 $0x1BF5;
	[smem:$0x3FA1] =	sst s0  }
0x18: {  	s0 =	sld [smem:$0x3F84];
	_ =	swait.ge [sflag:s4], $0x0  }
0x19: {  	s7 =	sld [smem:$0x3F85]  }
0x1a: {  	s8 =	sadd.s32 $0xFFFFE003, lr  }
0x1b: {  	s9 =	sadd.s32 $0xFFFFFEF7, lr;
	s5 =	simm.s32 $0xFFFFFFFF;
	p2 =	slt.u32 s8, $0xFFFFF086  }
0x1c: {  	p1 =	slt.u32 s9, $0xF7A;
	s5 =	simm.s32 @!p2 $0x0  }
0x1d: {  	s5 =	simm.s32 @p1 $0x1;
	p0 =	seq.s32 s7, s2  }
0x1e: {  	s7 =	smul.u32 @!p0 $0xF7A, s2;
	p2 =	seq.s32 @!p0 s5, $0x0  }
0x1f: {  	s9 =	smul.u32 $0xF7A, s1;
	s8 =	simm.s32 @!p0 $0x1BF5;
	p2 =	por !p2, p0  }
0x20: {  	[sflag:s8] =	ssyncset.s32 @!p0 $0xFFFFF086;
	s6 =	sadd.s32 @!p0 s3, s7;
	s7 =	simm.s32 @!p0 $0x108  }
0x21: {  	s3 =	sadd.s32 s3, s9;
	s6 =	sadd.s32 @!p0 $0x88, s6;
	s7 =	simm.s32 @p2 $0x1082  }
0x22: {  	[simem:s7], [sflag:s8] =	dma.local @!p0 [hbm:s6], $0xF7A  }
0x23: {  	s9 =	sor.u32 $0xD0000000, s2;
	s6 =	simm.s32 $0x108;
	_ =	swait.ge @!p0 [sflag:s8], $0x0  }
0x24: {  	s3 =	sadd.s32 $0x88, s3;
	s6 =	simm.s32 @!p1 $0x1082;
	[sflag:s4] =	ssyncset.s32 $0xFFFFF086  }
0x25: {  	[simem:s6], [sflag:s4] =	dma.local [hbm:s3], $0xF7A  }
0x26: {  	[smem:$0x3F85] =	sst s1;
	(tag) =	ssettag s2;
	_ =	strace s9  }
0x27: {  	s1 =	sld [smem:$0x3F95]  }
0x28: {  	s2 =	sld [smem:$0x3F96]  }
0x29: {  	s4 =	sld [smem:$0x3F98]  }
0x2a: {  	p0 =	seq.s32 s5, $0x0;
	s5 =	sld [smem:$0x3F99]  }
0x2b: {  	s6 =	sld [smem:$0x3F9A]  }
0x2c: {  	s7 =	sld [smem:$0x3F9B]  }
0x2d: {  	s3 =	simm.s32 $0x108;
	s8 =	sld [smem:$0x3F9C]  }
0x2e: {  	s3 =	simm.s32 @!p0 $0x1082;
	s9 =	sld [smem:$0x3F9D]  }
0x2f: {  	lr =	sadd.s32 s0, s3;
	s0 =	sld [smem:$0x3F94]  }
0x30: {  	s3 =	sld [smem:$0x3F97]  }
0x31: {  	[smem:$0x3FA0] =	sst s10  }
0x32: {  	s10 =	sld [smem:$0x3F9E];
	_ =	sdelay $0x3  }
0x33: {  	p0 =	seq.s32 s10, $0x1;
	s10 =	sld [smem:$0x3FA0];
	_ =	sdelay $0x3  }
0x34: {  	[smem:$0x3FA0] =	sst s10  }
0x35: {  	s10 =	sld [smem:$0x3F9F];
	_ =	sdelay $0x3  }
0x36: {  	p1 =	seq.s32 s10, $0x1;
	s10 =	sld [smem:$0x3FA0];
	_ =	sdelay $0x3  }
0x37: {  	[smem:$0x3FA0] =	sst s10  }
0x38: {  	s10 =	sld [smem:$0x3FA1]  }
0x39: {  	_ = 	snop;
	(pc) =	sbr.ind lr, $3  }
0x3a: {  	_ = 	snop  }
0x3b: {  	_ = 	snop  }
0x3c: {  	p2 =	seq.s32 s10, $0x1;
	s10 =	sld [smem:$0x3FA0]  }
0x3d: {  	_ =	shalt  }
0x3e: {  	_ =	shalt  }
0x3f: {  	_ =	shalt  }
0x40: {  	_ =	shalt  }
0x41: {  	_ =	shalt  }
0x42: {  	_ =	shalt  }
0x43: {  	_ =	shalt  }
0x44: {  	_ =	shalt  }
0x45: {  	_ =	shalt  }
0x46: {  	_ =	shalt  }
0x47: {  	_ =	shalt  }
0x48: {  	_ =	shalt  }
0x49: {  	_ =	shalt  }
0x4a: {  	_ =	shalt  }
0x4b: {  	_ =	shalt  }
0x4c: {  	_ =	shalt  }
0x4d: {  	_ =	shalt  }
0x4e: {  	_ =	shalt  }
0x4f: {  	_ =	shalt  }
0x50: {  	_ =	shalt  }
0x51: {  	_ =	shalt  }
0x52: {  	_ =	shalt  }
0x53: {  	_ =	shalt  }
0x54: {  	_ =	shalt  }
0x55: {  	_ =	shalt  }
0x56: {  	_ =	shalt  }
0x57: {  	_ =	shalt  }
0x58: {  	_ =	shalt  }
0x59: {  	_ =	shalt  }
0x5a: {  	_ =	shalt  }
0x5b: {  	_ =	shalt  }
0x5c: {  	_ =	shalt  }
0x5d: {  	_ =	shalt  }
0x5e: {  	_ =	shalt  }
0x5f: {  	_ =	shalt  }
0x60: {  	_ =	shalt  }
0x61: {  	_ =	shalt  }
0x62: {  	_ =	shalt  }
0x63: {  	_ =	shalt  }
0x64: {  	_ =	shalt  }
0x65: {  	_ =	shalt  }
0x66: {  	_ =	shalt  }
0x67: {  	_ =	shalt  }
0x68: {  	_ =	shalt  }
0x69: {  	_ =	shalt  }
0x6a: {  	_ =	shalt  }
0x6b: {  	_ =	shalt  }
0x6c: {  	_ =	shalt  }
0x6d: {  	_ =	shalt  }
0x6e: {  	_ =	shalt  }
0x6f: {  	_ =	shalt  }
0x70: {  	_ =	shalt  }
0x71: {  	_ =	shalt  }
0x72: {  	_ =	shalt  }
0x73: {  	_ =	shalt  }
0x74: {  	_ =	shalt  }
0x75: {  	_ =	shalt  }
0x76: {  	_ =	shalt  }
0x77: {  	_ =	shalt  }
0x78: {  	_ =	shalt  }
0x79: {  	_ =	shalt  }
0x7a: {  	_ =	shalt  }
0x7b: {  	_ =	shalt  }
0x7c: {  	_ =	shalt  }
0x7d: {  	_ =	shalt  }
0x7e: {  	_ =	shalt  }
0x7f: {  	_ =	shalt  }
0x80: {  	_ =	shalt  }
0x81: {  	_ =	shalt  }
0x82: {  	_ =	shalt  }
0x83: {  	_ =	shalt  }
0x84: {  	_ =	shalt  }
0x85: {  	_ =	shalt  }
0x86: {  	_ =	shalt  }
0x87: {  	_ =	shalt  }
.Lfunc_end0:
.L_simem_size_0:
called_computation.1_lowered:
.L_overlay_start_0:
0x88: {  	s2 =	sld [smem:$0x3FD9]  }
0x89: {  	s3 =	sld [smem:$0x3FFE];
	_ =	sdelay $0x1  }
0x8a: {  	s1 =	srdreg.scid  }
0x8b: {  	s0 =	sand.u32 $0x1, s1  }
0x8c: {  	s16 =	sshll.u32 s0, $0xA;
	s2 =	sadd.s32 s3, s2  }
0x8d: {  	s2 =	sadd.s32 s2, s16  }
0x8e: {  	[smem:$0x3FAC] =	sst s2  }
0x8f: {  	_ = 	snop  }
0x90: {  	(tm) =	ssettm $0x1  }
0x91: {  	s17 =	sld [smem:$0x3FFB];
	_ =	sdelay $0x3  }
0x92: {  	_ =	strace s17  }
0x93: {  	s2 =	sld [smem:$0x3FFC];
	_ =	sdelay $0x3  }
0x94: {  	_ =	strace s2  }
0x95: {  	s2 =	sld [smem:$0x3FFD];
	_ =	sdelay $0x3  }
0x96: {  	_ =	strace s2  }
0x97: {  	_ =	strace $0x8FFFFFFF  }
0x98: {  	s18 =	sld [smem:$0x3FDB];
	_ =	sdelay $0x1  }
0x99: {  	s19 =	simm.s32 $_scs_section_size  }
0x9a: {  	s4 =	simm.s32 $_size__tile_overlayer_lowered;
	s5 =	simm.s32 $_tile_overlayer_lowered  }
0x9b: {  	s22 =	simm.s32 $0x1BFF;
	s21 =	sshll.u32 s5, $0x1;
	s2 =	sadd.s32 s19, s18  }
0x9c: {  	s6 =	simm.s32 $0x0;
	s20 =	sshll.u32 s4, $0x1;
	s4 =	sadd.s32 s21, s2  }
0x9d: {  	[timem:s6], [sflag:s22] =	dma.local [hbm:s4], s20  }
0x9e: {  	_ =	swait.ge [sflag:s22], s20  }
0x9f: {  	s3 =	ssub.s32 $0x0, s20;
	[sflag:s22] =	ssyncset.done $0x0  }
0xa0: {  	[sflag:s22] =	ssyncadd.s32 s3;
	_ =	sdelay $0x1  }
0xa1: {  	s23 =	simm.s32 $0x1B8B  }
0xa2: {  	_ =	swait.ge [sflag:s23], $0x1  }
0xa3: {  	[sflag:s23] =	ssyncset.done $0x0  }
0xa4: {  	s25 =	simm.s32 $0x1B8E;
	s24 =	sld [smem:$0x3FFE];
	[sflag:s23] =	ssyncadd.s32 $0xFFFFFFFF  }
0xa5: {  	s26 =	simm.s32 $execute0_lowered;
	[smem:$0x3FD2] =	sst s25  }
0xa6: {  	s4 =	sshll.u32 s26, $0x1;
	_ =	strace $0x80000049;
	[dreg:$0x1] =	wrdreg $0xFFFFFFFF  }
0xa7: {  	s28 =	simm.s32 $_size_execute0_lowered;
	s2 =	sadd.s32 s2, s4;
	[dreg:$0x0] =	wrdreg $0x0  }
0xa8: {  	s4 =	sshll.u32 s28, $0x1;
	[dreg:$0x2] =	wrdreg s2  }
0xa9: {  	[dreg:$0x3] =	wrdreg s4  }
0xaa: {  	[dreg:$0x4] =	wrdreg $0xC0  }
0xab: {  	_ =	task [dreg:s6], $0x5FFFF  }
0xac: {  	[dreg:$0x1] =	wrdreg $0xFFFFFFFF  }
0xad: {  	[dreg:$0x0] =	wrdreg $0x60  }
0xae: {  	[dreg:$0x2] =	wrdreg s24  }
0xaf: {  	[dreg:$0x3] =	wrdreg $0x4CA00  }
0xb0: {  	[dreg:$0x4] =	wrdreg $0x9  }
0xb1: {  	_ =	task.clear_ibuf [dreg:s6], $0x5FFFF;
	_ =	strace $0x90000049  }
0xb2: {  	s29 =	simm.s32 $0x9;
	_ =	strace $0x8000004B  }
0xb3: {  	_ =	swait.ge [sflag:s29], $0x1  }
0xb4: {  	[sflag:s29] =	ssyncadd.s32 $0xFFFFFFFF  }
0xb5: {  	_ =	strace $0x9000004B  }
0xb6: {  	_ =	sfence  }
0xb7: {  	s30 =	sld [smem:$0x0];
	_ =	sdelay $0x2  }
0xb8: {  	s31 =	sshll.u32 s1, $0xD;
	s1 =	sshrl.u32 s1, $0x2  }
0xb9: {  	s3 =	sand.u32 $0x4000, s31;
	s1 =	sadd.s32 s1, s30  }
0xba: {  	s0 =	sor.u32 s3, s0;
	s1 =	sshll.u32 s1, $0x11  }
0xbb: {  	s0 =	sor.u32 s1, s0  }
0xbc: {  	s0 =	sadd.s32 $0x8F2B, s0  }
0xbd: {  	[sflag:s0] =	ssyncadd.remote.s32 $0x1  }
0xbe: {  	_ =	sfence.sel $0xFFFF  }
0xbf: {  	[dreg:$0x0] =	wrdreg $0xFFFFFFFF;
	(pc) =	sbr.abs _section_cstart, $3  }
0xc0: {  	[dreg:$0x1] =	wrdreg $0xFFFFFFFF  }
0xc1: {  	_ =	task.clear_ibuf [dreg:s6], $0x2FFFF;
	_ =	strace $0x9FFFFFFF  }
0xc2: {  	(tm) =	ssettm $0x7FFFFFFF  }
0xc3: {  	_ =	shalt  }
tec
execute0_lowered:
.L_overlay_start_1:
0x0: {  	(tag) =	ssettag $0x1  }
0x1: {  	s4 =	rddreg [dreg:$0x0]  }
0x2: {  	s2 =	rddreg [dreg:$0x1]  }
0x3: {  	s0 =	stileid.u32;
	s1 =	rddreg [dreg:$0x2]  }
0x4: {  	s8 =	srdreg.scid;
	s3 =	simm.s32 $0x0;
	s15 =	simm.s32 $0x1460  }
0x5: {  	s16 =	simm.s32 $0xD0;
	s17 =	simm.s32 $0x2720;
	s5 =	smul.u32 $0x1D4C0, s0  }
0x6: {  	s18 =	simm.s32 $0x138;
	s19 =	simm.s32 $0x39E0;
	s6 =	smul.u32 $0xA28, s0  }
0x7: {  	s20 =	simm.s32 $0x1;
	s21 =	simm.s32 $0x0;
	s7 =	smul.u32 $0x7530, s0  }
0x8: {  	s8 =	sand.u32 $0x1, s8;
	s9 =	smul.u32 $0xEA6, s0;
	[smem:$0x7FF] =	sst s3  }
0x9: {  	s13 =	sshll.u32 s0, $0x6;
	s10 =	smul.u32 $0xEA60, s8;
	_ =	strace $0x8000004A  }
0xa: {  	s30 =	ssub.s32 $0x2, s8;
	s8 =	smul.u32 $0x514, s8;
	s11 =	sadd.s32 s5, s4  }
0xb: {  	s12 =	sadd.s32 s6, s4;
	s28 =	sshrl.u32 s7, $0x3;
	s31 =	sshrl.u32 s30, $0x1  }
0xc: {  	s14 =	sadd.s32 s7, s2;
	s29 =	sadd.s32 s9, s10;
	s5 =	sadd.s32 s28, s4  }
0xd: {  	s9 =	ssub.s32 s30, s31;
	s8 =	sadd.s32 s8, s12;
	s10 =	sadd.s32 s10, s11  }
0xe: {  	s11 =	simm.s32 $0x2;
	s12 =	simm.s32 $0x1A0;
	s6 =	sadd.s32 s29, s4  }
0xf: {  	s4 =	sadd.s32 $0x5400, s5;
	s5 =	sor.u32 $0x1C02, s13;
	s7 =	smax.u32 s9, $0x1  }
0x10: {  	s8 =	sadd.s32 $0x23400, s8;
	s9 =	sadd.s32 $0x2D800, s10;
	s10 =	sshrl.u32 s14, $0x3  }
0x11: {  	s13 =	simm.s32 $0x64;
	s14 =	simm.s32 $0x68;
	s6 =	sadd.s32 $0x202400, s6  }
.LBB2_1:
0x12: {  	[spmem:s10], [sflag:s5] =	dma.local [hbm:s4], $0xEA6  }
0x13: {  	_ =	swait.ge [sflag:s11], $0xEA6  }
0x14: {  	[sflag:s11] =	ssyncset.done $0x0  }
0x15: {  	[sflag:s11] =	ssyncadd.s32 $0xFFFFF15A  }
0x16: {  	s22 =	sadd.s32 $0x0, s8;
	[bflag:$0x0] =	sbarrier.arrive $0xFFFF  }
0x17: {  	[tilespmem:s3], [sflag:$0x2] =	stream.linear.gather [hbm4b:s22+s3], $0x1A0, $0x38;
	[tilespmem:$0xC1D0] =	vst v63  }
0x18: {  	_ =	swait.ge [sflag:s11], $0x1A0  }
0x19: {  	[sflag:s11] =	ssyncset.done $0x0  }
0x1a: {  	[sflag:s11] =	ssyncadd.s32 $0xFFFFFE60  }
0x1b: {  	[tilespmem:s12], [sflag:$0x2] =	stream.linear.gather [hbm4b:s9+s3], $0x4B00, $0x38;
	[tilespmem:$0xC1D0] =	vst v63  }
0x1c: {  	_ =	swait.ge [sflag:s11], $0x4B00  }
0x1d: {  	[sflag:s11] =	ssyncset.done $0x0  }
0x1e: {  	[sflag:s11] =	ssyncadd.s32 $0xFFFFB500  }
0x1f: {  	[spmem:s2] =	stream.indirect.scatter.add.f32 [tilespmem:s12], [sflag:$0x1], $0x30, s3, s13, $0xb8;
	[tilespmem:$0xC1D0] =	vst v63  }
0x20: {  	_ = 	snop  }
0x21: {  	[spmem:s2] =	stream.indirect.scatter.add.f32 [tilespmem:s15], [sflag:$0x1], $0x30, s14, s13, $0xb8;
	[tilespmem:$0xC1D0] =	vst v63  }
0x22: {  	_ = 	snop  }
0x23: {  	[spmem:s2] =	stream.indirect.scatter.add.f32 [tilespmem:s17], [sflag:$0x1], $0x30, s16, s13, $0xb8;
	[tilespmem:$0xC1D0] =	vst v63  }
0x24: {  	_ = 	snop  }
0x25: {  	[spmem:s2] =	stream.indirect.scatter.add.f32 [tilespmem:s19], [sflag:$0x1], $0x30, s18, s13, $0xb8;
	[tilespmem:$0xC1D0] =	vst v63  }
0x26: {  	_ =	swait.ge [sflag:s20], $0x12C0  }
0x27: {  	[sflag:s20] =	ssyncset.done $0x0  }
0x28: {  	[sflag:s20] =	ssyncadd.s32 $0xFFFFED40  }
0x29: {  	_ =	swait.ge [sflag:s20], $0x12C0  }
0x2a: {  	[sflag:s20] =	ssyncset.done $0x0  }
0x2b: {  	[sflag:s20] =	ssyncadd.s32 $0xFFFFED40  }
0x2c: {  	_ =	swait.ge [sflag:s20], $0x12C0  }
0x2d: {  	[sflag:s20] =	ssyncset.done $0x0  }
0x2e: {  	[sflag:s20] =	ssyncadd.s32 $0xFFFFED40  }
0x2f: {  	s23 =	simm.s32 $0x34;
	_ =	swait.ge [sflag:s20], $0x12C0  }
0x30: {  	s24 =	simm.s32 $0x68;
	s22 =	sadd.s32 $0x960, s9;
	[sflag:s20] =	ssyncset.done $0x0  }
.LBB2_2:
0x31: {  	s25 =	sadd.s32 s23, s8  }
0x32: {  	[sflag:s20] =	ssyncadd.s32 $0xFFFFED40;
	s23 =	smov.u32 s24;
	s26 =	sadd.s32 $0x34, s24  }
0x33: {  	[tilespmem:s3], [sflag:$0x2] =	stream.linear.gather [hbm4b:s25+s3], $0x1A0, $0x38;
	[tilespmem:$0xC1D0] =	vst v63  }
0x34: {  	p0 =	sne.s32 s24, $0x4E0;
	_ =	swait.ge [sflag:s11], $0x1A0  }
0x35: {  	[sflag:s11] =	ssyncset.done $0x0  }
0x36: {  	[sflag:s11] =	ssyncadd.s32 $0xFFFFFE60  }
0x37: {  	[tilespmem:s12], [sflag:$0x2] =	stream.linear.gather [hbm4b:s22+s3], $0x4B00, $0x38;
	[tilespmem:$0xC1D0] =	vst v63  }
0x38: {  	_ =	swait.ge [sflag:s11], $0x4B00  }
0x39: {  	[sflag:s11] =	ssyncset.done $0x0  }
0x3a: {  	[sflag:s11] =	ssyncadd.s32 $0xFFFFB500  }
0x3b: {  	[spmem:s2] =	stream.indirect.scatter.add.f32 [tilespmem:s12], [sflag:$0x1], $0x30, s3, s13, $0xb8;
	[tilespmem:$0xC1D0] =	vst v63  }
0x3c: {  	_ = 	snop  }
0x3d: {  	[spmem:s2] =	stream.indirect.scatter.add.f32 [tilespmem:s15], [sflag:$0x1], $0x30, s14, s13, $0xb8;
	[tilespmem:$0xC1D0] =	vst v63  }
0x3e: {  	_ = 	snop  }
0x3f: {  	[spmem:s2] =	stream.indirect.scatter.add.f32 [tilespmem:s17], [sflag:$0x1], $0x30, s16, s13, $0xb8;
	[tilespmem:$0xC1D0] =	vst v63  }
0x40: {  	_ = 	snop  }
0x41: {  	[spmem:s2] =	stream.indirect.scatter.add.f32 [tilespmem:s19], [sflag:$0x1], $0x30, s18, s13, $0xb8;
	[tilespmem:$0xC1D0] =	vst v63  }
0x42: {  	_ =	swait.ge [sflag:s20], $0x12C0  }
0x43: {  	[sflag:s20] =	ssyncset.done $0x0  }
0x44: {  	[sflag:s20] =	ssyncadd.s32 $0xFFFFED40  }
0x45: {  	_ =	swait.ge [sflag:s20], $0x12C0  }
0x46: {  	[sflag:s20] =	ssyncset.done $0x0  }
0x47: {  	[sflag:s20] =	ssyncadd.s32 $0xFFFFED40  }
.Ltmp0:
0x48: {  	_ =	swait.ge [sflag:s20], $0x12C0;
	(pc) =	sbr.rel @p0 .LBB2_2-.Ltmp0, $4  }
0x49: {  	[sflag:s20] =	ssyncset.done $0x0  }
0x4a: {  	[sflag:s20] =	ssyncadd.s32 $0xFFFFED40  }
0x4b: {  	_ =	swait.ge [sflag:s20], $0x12C0  }
0x4c: {  	s24 =	smov.u32 s26;
	s22 =	sadd.s32 $0x960, s22;
	[sflag:s20] =	ssyncset.done $0x0  }
0x4d: {  	s23 =	sadd.s32 s23, s8;
	[sflag:s20] =	ssyncadd.s32 $0xFFFFED40  }
0x4e: {  	[tilespmem:s3], [sflag:$0x2] =	stream.linear.gather [hbm4b:s23+s3], $0x1A0, $0x38;
	[tilespmem:$0xC1D0] =	vst v63  }
0x4f: {  	_ =	swait.ge [sflag:s11], $0x1A0  }
0x50: {  	[sflag:s11] =	ssyncset.done $0x0  }
0x51: {  	[sflag:s11] =	ssyncadd.s32 $0xFFFFFE60  }
0x52: {  	[tilespmem:s12], [sflag:$0x2] =	stream.linear.gather [hbm4b:s22+s3], $0x4B00, $0x38;
	[tilespmem:$0xC1D0] =	vst v63  }
0x53: {  	_ =	swait.ge [sflag:s11], $0x4B00  }
0x54: {  	[sflag:s11] =	ssyncset.done $0x0  }
0x55: {  	[sflag:s11] =	ssyncadd.s32 $0xFFFFB500  }
0x56: {  	[spmem:s2] =	stream.indirect.scatter.add.f32 [tilespmem:s12], [sflag:$0x1], $0x30, s3, s13, $0xb8;
	[tilespmem:$0xC1D0] =	vst v63  }
0x57: {  	_ = 	snop  }
0x58: {  	[spmem:s2] =	stream.indirect.scatter.add.f32 [tilespmem:s15], [sflag:$0x1], $0x30, s14, s13, $0xb8;
	[tilespmem:$0xC1D0] =	vst v63  }
0x59: {  	_ = 	snop  }
0x5a: {  	[spmem:s2] =	stream.indirect.scatter.add.f32 [tilespmem:s17], [sflag:$0x1], $0x30, s16, s13, $0xb8;
	[tilespmem:$0xC1D0] =	vst v63  }
0x5b: {  	_ = 	snop  }
0x5c: {  	[spmem:s2] =	stream.indirect.scatter.add.f32 [tilespmem:s19], [sflag:$0x1], $0x30, s18, s13, $0xb8;
	[tilespmem:$0xC1D0] =	vst v63  }
0x5d: {  	_ =	swait.ge [sflag:s20], $0x12C0  }
0x5e: {  	[sflag:s20] =	ssyncset.done $0x0  }
0x5f: {  	[sflag:s20] =	ssyncadd.s32 $0xFFFFED40  }
0x60: {  	_ =	swait.ge [sflag:s20], $0x12C0  }
0x61: {  	[sflag:s20] =	ssyncset.done $0x0  }
0x62: {  	[sflag:s20] =	ssyncadd.s32 $0xFFFFED40  }
0x63: {  	_ =	swait.ge [sflag:s20], $0x12C0  }
0x64: {  	[sflag:s20] =	ssyncset.done $0x0  }
0x65: {  	[sflag:s20] =	ssyncadd.s32 $0xFFFFED40  }
0x66: {  	_ =	swait.ge [sflag:s20], $0x12C0  }
0x67: {  	s21 =	sadd.s32 $0x1, s21;
	[sflag:s20] =	ssyncset.done $0x0  }
0x68: {  	p0 =	sne.s32 s21, s7;
	[sflag:s20] =	ssyncadd.s32 $0xFFFFED40  }
.Ltmp1:
0x69: {  	[bflag:$0x0] =	sbarrier.arrive $0xFFFF;
	(pc) =	sbr.rel @p0 .LBB2_1-.Ltmp1, $4  }
0x6a: {  	[hbm:s6], [sflag:s5] =	dma.local [spmem:s10], $0xEA6  }
0x6b: {  	_ =	swait.ge [sflag:s11], $0xEA6  }
0x6c: {  	[sflag:s11] =	ssyncset.done $0x0  }
0x6d: {  	[sflag:s11] =	ssyncadd.s32 $0xFFFFF15A  }
0x6e: {  	_ =	sfence.sel $0x180000  }
0x6f: {  	[bflag:$0x0] =	sbarrier.arrive $0xFFFF  }
0x70: {  	p0 =	sne.s32 s0, $0x0;
	_ =	strace $0x9000004A  }
0x71: {  	s0 =	sadd.s32 @!p0 $0x100000, s1;
	[bflag:$0x2] =	sbarrier.arrive $0xFFFF  }
0x72: {  	[sflag:s0] =	ssyncadd.tile.s32 @!p0 $0x1;
	_ =	shalt  }
.Lfunc_end2:
_tile_overlayer_lowered:
.L_overlay_start_2:
0x73: {  	(tag) =	ssettag $0x2  }
0x74: {  	s0 =	rddreg [dreg:$0x0];
	s2 =	stileid.u32  }
0x75: {  	s1 =	rddreg [dreg:$0x1];
	p0 =	sne.s32 s2, $0x0  }
0x76: {  	s3 =	rddreg [dreg:$0x2];
	[bflag:$0x3] =	sbarrier.arrive $0xFFFF;
	s2 =	simm.s32 @!p0 $0x1C02  }
0x77: {  	[timem:s3], [sflag:s2] =	dma.local @!p0 [hbm:s0], s1  }
0x78: {  	s0 =	simm.s32 @!p0 $0x2  }
0x79: {  	_ =	swait.ge @!p0 [sflag:s0], s1  }
0x7a: {  	s1 =	ssub.s32 @!p0 $0x0, s1;
	[sflag:s0] =	ssyncset.done @!p0 $0x0  }
0x7b: {  	[sflag:s0] =	ssyncadd.s32 @!p0 s1  }
0x7c: {  	[bflag:$0x3] =	sbarrier.arrive $0xFFFF  }
0x7d: {  	_ =	shalt  }

// kernel: kernel.7.cloned.1.call-start
scs
__scs_entry_jumppad:
0x0: {  	(pc) =	sbr.rel $0x88, $3  }
0x1: {  	(tag) =	ssettag $0x0;
	lr =	simm.s32 $0x1  }
0x2: {  	[smem:$0x3F85] =	sst lr;
	_ =	strace $0xD0000000  }
0x3: {  	_ = 	snop  }
0x4: {  	_ = 	snop  }
0x5: {  	_ = 	snop  }
0x6: {  	_ = 	snop  }
0x7: {  	_ = 	snop  }
__scs_overlays_trampoline_lowered:
0x8: {  	[smem:$0x3F94] =	sst s0  }
0x9: {  	[smem:$0x3F95] =	sst s1  }
0xa: {  	[smem:$0x3F96] =	sst s2  }
0xb: {  	[smem:$0x3F97] =	sst s3  }
0xc: {  	[smem:$0x3F98] =	sst s4  }
0xd: {  	[smem:$0x3F99] =	sst s5  }
0xe: {  	[smem:$0x3F9A] =	sst s6  }
0xf: {  	[smem:$0x3F9B] =	sst s7  }
0x10: {  	[smem:$0x3F9C] =	sst s8  }
0x11: {  	[smem:$0x3F9D] =	sst s9;
	s0 =	simm.s32 @!p0 $0x0  }
0x12: {  	s1 =	sld [smem:$0x3F83];
	s0 =	simm.s32 @p0 $0x1  }
0x13: {  	[smem:$0x3F9E] =	sst s0;
	s0 =	simm.s32 @!p1 $0x0  }
0x14: {  	s2 =	sld [smem:$0x3F82];
	s0 =	simm.s32 @p1 $0x1  }
0x15: {  	[smem:$0x3F9F] =	sst s0;
	s0 =	simm.s32 @!p2 $0x0  }
0x16: {  	s3 =	sld [smem:$0x3FDB];
	s0 =	simm.s32 @p2 $0x1  }
0x17: {  	s4 =	simm.s32 $0x1BF5;
	[smem:$0x3FA1] =	sst s0  }
0x18: {  	s0 =	sld [smem:$0x3F84];
	_ =	swait.ge [sflag:s4], $0x0  }
0x19: {  	s7 =	sld [smem:$0x3F85]  }
0x1a: {  	s8 =	sadd.s32 $0xFFFFE003, lr  }
0x1b: {  	s9 =	sadd.s32 $0xFFFFFEF7, lr;
	s5 =	simm.s32 $0xFFFFFFFF;
	p2 =	slt.u32 s8, $0xFFFFF086  }
0x1c: {  	p1 =	slt.u32 s9, $0xF7A;
	s5 =	simm.s32 @!p2 $0x0  }
0x1d: {  	s5 =	simm.s32 @p1 $0x1;
	p0 =	seq.s32 s7, s2  }
0x1e: {  	s7 =	smul.u32 @!p0 $0xF7A, s2;
	p2 =	seq.s32 @!p0 s5, $0x0  }
0x1f: {  	s9 =	smul.u32 $0xF7A, s1;
	s8 =	simm.s32 @!p0 $0x1BF5;
	p2 =	por !p2, p0  }
0x20: {  	[sflag:s8] =	ssyncset.s32 @!p0 $0xFFFFF086;
	s6 =	sadd.s32 @!p0 s3, s7;
	s7 =	simm.s32 @!p0 $0x108  }
0x21: {  	s3 =	sadd.s32 s3, s9;
	s6 =	sadd.s32 @!p0 $0x88, s6;
	s7 =	simm.s32 @p2 $0x1082  }
0x22: {  	[simem:s7], [sflag:s8] =	dma.local @!p0 [hbm:s6], $0xF7A  }
0x23: {  	s9 =	sor.u32 $0xD0000000, s2;
	s6 =	simm.s32 $0x108;
	_ =	swait.ge @!p0 [sflag:s8], $0x0  }
0x24: {  	s3 =	sadd.s32 $0x88, s3;
	s6 =	simm.s32 @!p1 $0x1082;
	[sflag:s4] =	ssyncset.s32 $0xFFFFF086  }
0x25: {  	[simem:s6], [sflag:s4] =	dma.local [hbm:s3], $0xF7A  }
0x26: {  	[smem:$0x3F85] =	sst s1;
	(tag) =	ssettag s2;
	_ =	strace s9  }
0x27: {  	s1 =	sld [smem:$0x3F95]  }
0x28: {  	s2 =	sld [smem:$0x3F96]  }
0x29: {  	s4 =	sld [smem:$0x3F98]  }
0x2a: {  	p0 =	seq.s32 s5, $0x0;
	s5 =	sld [smem:$0x3F99]  }
0x2b: {  	s6 =	sld [smem:$0x3F9A]  }
0x2c: {  	s7 =	sld [smem:$0x3F9B]  }
0x2d: {  	s3 =	simm.s32 $0x108;
	s8 =	sld [smem:$0x3F9C]  }
0x2e: {  	s3 =	simm.s32 @!p0 $0x1082;
	s9 =	sld [smem:$0x3F9D]  }
0x2f: {  	lr =	sadd.s32 s0, s3;
	s0 =	sld [smem:$0x3F94]  }
0x30: {  	s3 =	sld [smem:$0x3F97]  }
0x31: {  	[smem:$0x3FA0] =	sst s10  }
0x32: {  	s10 =	sld [smem:$0x3F9E];
	_ =	sdelay $0x3  }
0x33: {  	p0 =	seq.s32 s10, $0x1;
	s10 =	sld [smem:$0x3FA0];
	_ =	sdelay $0x3  }
0x34: {  	[smem:$0x3FA0] =	sst s10  }
0x35: {  	s10 =	sld [smem:$0x3F9F];
	_ =	sdelay $0x3  }
0x36: {  	p1 =	seq.s32 s10, $0x1;
	s10 =	sld [smem:$0x3FA0];
	_ =	sdelay $0x3  }
0x37: {  	[smem:$0x3FA0] =	sst s10  }
0x38: {  	s10 =	sld [smem:$0x3FA1]  }
0x39: {  	_ = 	snop;
	(pc) =	sbr.ind lr, $3  }
0x3a: {  	_ = 	snop  }
0x3b: {  	_ = 	snop  }
0x3c: {  	p2 =	seq.s32 s10, $0x1;
	s10 =	sld [smem:$0x3FA0]  }
0x3d: {  	_ =	shalt  }
0x3e: {  	_ =	shalt  }
0x3f: {  	_ =	shalt  }
0x40: {  	_ =	shalt  }
0x41: {  	_ =	shalt  }
0x42: {  	_ =	shalt  }
0x43: {  	_ =	shalt  }
0x44: {  	_ =	shalt  }
0x45: {  	_ =	shalt  }
0x46: {  	_ =	shalt  }
0x47: {  	_ =	shalt  }
0x48: {  	_ =	shalt  }
0x49: {  	_ =	shalt  }
0x4a: {  	_ =	shalt  }
0x4b: {  	_ =	shalt  }
0x4c: {  	_ =	shalt  }
0x4d: {  	_ =	shalt  }
0x4e: {  	_ =	shalt  }
0x4f: {  	_ =	shalt  }
0x50: {  	_ =	shalt  }
0x51: {  	_ =	shalt  }
0x52: {  	_ =	shalt  }
0x53: {  	_ =	shalt  }
0x54: {  	_ =	shalt  }
0x55: {  	_ =	shalt  }
0x56: {  	_ =	shalt  }
0x57: {  	_ =	shalt  }
0x58: {  	_ =	shalt  }
0x59: {  	_ =	shalt  }
0x5a: {  	_ =	shalt  }
0x5b: {  	_ =	shalt  }
0x5c: {  	_ =	shalt  }
0x5d: {  	_ =	shalt  }
0x5e: {  	_ =	shalt  }
0x5f: {  	_ =	shalt  }
0x60: {  	_ =	shalt  }
0x61: {  	_ =	shalt  }
0x62: {  	_ =	shalt  }
0x63: {  	_ =	shalt  }
0x64: {  	_ =	shalt  }
0x65: {  	_ =	shalt  }
0x66: {  	_ =	shalt  }
0x67: {  	_ =	shalt  }
0x68: {  	_ =	shalt  }
0x69: {  	_ =	shalt  }
0x6a: {  	_ =	shalt  }
0x6b: {  	_ =	shalt  }
0x6c: {  	_ =	shalt  }
0x6d: {  	_ =	shalt  }
0x6e: {  	_ =	shalt  }
0x6f: {  	_ =	shalt  }
0x70: {  	_ =	shalt  }
0x71: {  	_ =	shalt  }
0x72: {  	_ =	shalt  }
0x73: {  	_ =	shalt  }
0x74: {  	_ =	shalt  }
0x75: {  	_ =	shalt  }
0x76: {  	_ =	shalt  }
0x77: {  	_ =	shalt  }
0x78: {  	_ =	shalt  }
0x79: {  	_ =	shalt  }
0x7a: {  	_ =	shalt  }
0x7b: {  	_ =	shalt  }
0x7c: {  	_ =	shalt  }
0x7d: {  	_ =	shalt  }
0x7e: {  	_ =	shalt  }
0x7f: {  	_ =	shalt  }
0x80: {  	_ =	shalt  }
0x81: {  	_ =	shalt  }
0x82: {  	_ =	shalt  }
0x83: {  	_ =	shalt  }
0x84: {  	_ =	shalt  }
0x85: {  	_ =	shalt  }
0x86: {  	_ =	shalt  }
0x87: {  	_ =	shalt  }
.Lfunc_end0:
.L_simem_size_0:
called_computation_lowered:
.L_overlay_start_0:
0x88: {  	s2 =	sld [smem:$0x3FD9]  }
0x89: {  	s3 =	sld [smem:$0x3FFE];
	_ =	sdelay $0x1  }
0x8a: {  	s1 =	srdreg.scid  }
0x8b: {  	s0 =	sand.u32 $0x1, s1  }
0x8c: {  	s14 =	sshll.u32 s0, $0xA;
	s2 =	sadd.s32 s3, s2  }
0x8d: {  	s2 =	sadd.s32 s2, s14  }
0x8e: {  	[smem:$0x3FAC] =	sst s2  }
0x8f: {  	_ = 	snop  }
0x90: {  	s2 =	sld [smem:$0x3FD0];
	_ =	sdelay $0x2  }
0x91: {  	s15 =	simm.s32 $0xA;
	s4 =	simm.s32 $0x10  }
0x92: {  	[smem:s4], [sflag:s15] =	dma.local [hbm:s2], $0x1  }
0x93: {  	_ =	swait.eq [sflag:s15], $0x1  }
0x94: {  	[sflag:s15] =	ssyncset.done $0x0  }
0x95: {  	[sflag:s15] =	ssyncadd.s32 $0xFFFFFFFF  }
0x96: {  	s16 =	sld [smem:$0x11];
	(tm) =	ssettm $0x1  }
0x97: {  	s17 =	sld [smem:$0x3FFB];
	_ =	sdelay $0x3  }
0x98: {  	_ =	strace s17  }
0x99: {  	s3 =	sld [smem:$0x3FFC];
	_ =	sdelay $0x3  }
0x9a: {  	_ =	strace s3  }
0x9b: {  	s3 =	sld [smem:$0x3FFD];
	_ =	sdelay $0x3  }
0x9c: {  	_ =	strace s3  }
0x9d: {  	_ =	strace $0x8FFFFFFF  }
0x9e: {  	s18 =	sld [smem:$0x3FDB];
	_ =	sdelay $0x1  }
0x9f: {  	s19 =	simm.s32 $_scs_section_size  }
0xa0: {  	s5 =	simm.s32 $_size__tile_overlayer_lowered;
	s6 =	simm.s32 $_tile_overlayer_lowered  }
0xa1: {  	s22 =	simm.s32 $0x1BFF;
	s21 =	sshll.u32 s6, $0x1;
	s3 =	sadd.s32 s19, s18  }
0xa2: {  	s7 =	simm.s32 $0x0;
	s20 =	sshll.u32 s5, $0x1;
	s5 =	sadd.s32 s21, s3  }
0xa3: {  	[timem:s7], [sflag:s22] =	dma.local [hbm:s5], s20  }
0xa4: {  	_ =	swait.ge [sflag:s22], s20  }
0xa5: {  	s4 =	ssub.s32 $0x0, s20;
	[sflag:s22] =	ssyncset.done $0x0  }
0xa6: {  	[sflag:s22] =	ssyncadd.s32 s4;
	_ =	sdelay $0x1  }
0xa7: {  	s23 =	simm.s32 $0x1B8B  }
0xa8: {  	_ =	swait.ge [sflag:s23], $0x1  }
0xa9: {  	[sflag:s23] =	ssyncset.done $0x0  }
0xaa: {  	s25 =	simm.s32 $0x1B8E;
	s24 =	sld [smem:$0x3FFE];
	[sflag:s23] =	ssyncadd.s32 $0xFFFFFFFF  }
0xab: {  	s26 =	simm.s32 $execute0_lowered;
	[smem:$0x3FD2] =	sst s25  }
0xac: {  	s5 =	sshll.u32 s26, $0x1;
	_ =	strace $0x80000046;
	[dreg:$0x1] =	wrdreg $0xFFFFFFFF  }
0xad: {  	s28 =	simm.s32 $_size_execute0_lowered;
	s3 =	sadd.s32 s3, s5;
	[dreg:$0x0] =	wrdreg $0x0  }
0xae: {  	s5 =	sshll.u32 s28, $0x1;
	[dreg:$0x2] =	wrdreg s3  }
0xaf: {  	[dreg:$0x3] =	wrdreg s5  }
0xb0: {  	[dreg:$0x4] =	wrdreg $0xC0  }
0xb1: {  	_ =	task [dreg:s7], $0x5FFFF  }
0xb2: {  	[dreg:$0x1] =	wrdreg $0xFFFFFFFF  }
0xb3: {  	[dreg:$0x0] =	wrdreg $0x60  }
0xb4: {  	[dreg:$0x2] =	wrdreg s24  }
0xb5: {  	[dreg:$0x3] =	wrdreg s16  }
0xb6: {  	[dreg:$0x4] =	wrdreg $0x9  }
0xb7: {  	_ =	task.clear_ibuf [dreg:s7], $0x5FFFF;
	_ =	strace $0x90000046  }
0xb8: {  	s29 =	simm.s32 $0x9;
	_ =	strace $0x80000048  }
0xb9: {  	_ =	swait.ge [sflag:s29], $0x1  }
0xba: {  	[sflag:s29] =	ssyncadd.s32 $0xFFFFFFFF  }
0xbb: {  	_ =	strace $0x90000048  }
0xbc: {  	_ =	sfence  }
0xbd: {  	s30 =	sld [smem:$0x0];
	_ =	sdelay $0x2  }
0xbe: {  	s31 =	sshll.u32 s1, $0xD;
	s1 =	sshrl.u32 s1, $0x2  }
0xbf: {  	s3 =	sand.u32 $0x4000, s31;
	s1 =	sadd.s32 s1, s30  }
0xc0: {  	s0 =	sor.u32 s3, s0;
	s1 =	sshll.u32 s1, $0x11  }
0xc1: {  	s0 =	sor.u32 s1, s0  }
0xc2: {  	s0 =	sadd.s32 $0x8F2B, s0  }
0xc3: {  	[sflag:s0] =	ssyncadd.remote.s32 $0x1  }
0xc4: {  	_ =	sfence.sel $0xFFFF  }
0xc5: {  	[dreg:$0x0] =	wrdreg $0xFFFFFFFF;
	(pc) =	sbr.abs _section_cstart, $3  }
0xc6: {  	[dreg:$0x1] =	wrdreg $0xFFFFFFFF  }
0xc7: {  	_ =	task.clear_ibuf [dreg:s7], $0x2FFFF;
	_ =	strace $0x9FFFFFFF  }
0xc8: {  	(tm) =	ssettm $0x7FFFFFFF  }
0xc9: {  	_ =	shalt  }
tec
execute0_lowered:
.L_overlay_start_1:
0x0: {  	(tag) =	ssettag $0x1  }
0x1: {  	s0 =	rddreg [dreg:$0x0]  }
0x2: {  	s1 =	rddreg [dreg:$0x1]  }
0x3: {  	s2 =	simm.s32 $0x0;
	s8 =	stileid.u32;
	s3 =	srdreg.scid  }
0x4: {  	s12 =	simm.s32 $0x340;
	s13 =	simm.s32 $0x3540;
	s14 =	simm.s32 $0x68  }
0x5: {  	s15 =	simm.s32 $0xFC0;
	s16 =	simm.s32 $0x208;
	s17 =	simm.s32 $0x41C0  }
0x6: {  	s18 =	simm.s32 $0xD0;
	s19 =	simm.s32 $0x1C40;
	s20 =	simm.s32 $0x270  }
0x7: {  	s21 =	simm.s32 $0x4E40;
	s22 =	simm.s32 $0x138;
	s23 =	simm.s32 $0x28C0  }
0x8: {  	s24 =	simm.s32 $0x2D8;
	s25 =	simm.s32 $0x5AC0;
	s26 =	simm.s32 $0x1  }
0x9: {  	s28 =	simm.s32 $0x2;
	s29 =	simm.s32 $0x0;
	s5 =	smul.u32 $0xA28, s8  }
0xa: {  	[smem:$0x7FF] =	sst s2;
	s6 =	sand.u32 $0x1, s3;
	s8 =	smul.u32 $0x13880, s8  }
0xb: {  	s3 =	sadd.s32 $0x5400, s0;
	s4 =	sadd.s32 $0xF200, s0;
	s7 =	smul.u32 $0x514, s6  }
0xc: {  	_ =	strace $0x80000047;
	s9 =	ssub.s32 $0x2, s6;
	s11 =	smul.u32 $0x9C40, s6  }
0xd: {  	s5 =	sadd.s32 s5, s0;
	s10 =	sshrl.u32 s9, $0x1;
	s0 =	sadd.s32 s8, s0  }
0xe: {  	s31 =	sadd.s32 s8, s1;
	s5 =	sadd.s32 s7, s5;
	s30 =	ssub.s32 s9, s10  }
0xf: {  	s0 =	sadd.s32 s11, s0;
	s8 =	sadd.s32 s11, s31;
	s6 =	smax.u32 s30, $0x1  }
0x10: {  	s9 =	simm.s32 $0x3;
	s7 =	sadd.s32 $0x19000, s5;
	[dreg:$0x4] =	wrdreg s6  }
0x11: {  	s10 =	simm.s32 $0x1A0;
	s0 =	sadd.s32 $0x2D800, s0;
	[dreg:$0x3] =	wrdreg s7  }
0x12: {  	s11 =	simm.s32 $0x64;
	s6 =	sadd.s32 $0x23400, s5;
	[dreg:$0x5] =	wrdreg s0  }
.LBB2_1:
0x13: {  	s0 =	rddreg [dreg:$0x3]  }
0x14: {  	s0 =	sadd.s32 $0x0, s0  }
0x15: {  	[tilespmem:s2], [sflag:$0x3] =	stream.linear.gather [hbm4b:s0+s2], $0x1A0, $0x38;
	[tilespmem:$0x6740] =	vst v63  }
0x16: {  	_ =	swait.ge [sflag:s9], $0x1A0  }
0x17: {  	[sflag:s9] =	ssyncset.done $0x0  }
0x18: {  	s7 =	sadd.s32 $0x0, s6;
	[sflag:s9] =	ssyncadd.s32 $0xFFFFFE60  }
0x19: {  	[tilespmem:s10], [sflag:$0x3] =	stream.linear.gather [hbm4b:s7+s2], $0x1A0, $0x38;
	[tilespmem:$0x6740] =	vst v63  }
0x1a: {  	_ =	swait.ge [sflag:s9], $0x1A0  }
0x1b: {  	[sflag:s9] =	ssyncset.done $0x0  }
0x1c: {  	[sflag:s9] =	ssyncadd.s32 $0xFFFFFE60  }
0x1d: {  	[tilespmem:s12], [sflag:$0x1] =	stream.indirect.gather [hbm4b:s3+s11], $0x20, s2, s11, $0xb8;
	[tilespmem:$0x6740] =	vst v63  }
0x1e: {  	_ = 	snop  }
0x1f: {  	[tilespmem:s13], [sflag:$0x2] =	stream.indirect.gather [hbm4b:s4+s11], $0x20, s10, s11, $0xb8;
	[tilespmem:$0x6740] =	vst v63  }
0x20: {  	_ = 	snop  }
0x21: {  	[tilespmem:s15], [sflag:$0x1] =	stream.indirect.gather [hbm4b:s3+s11], $0x20, s14, s11, $0xb8;
	[tilespmem:$0x6740] =	vst v63  }
0x22: {  	_ = 	snop  }
0x23: {  	[tilespmem:s17], [sflag:$0x2] =	stream.indirect.gather [hbm4b:s4+s11], $0x20, s16, s11, $0xb8;
	[tilespmem:$0x6740] =	vst v63  }
0x24: {  	_ = 	snop  }
0x25: {  	[tilespmem:s19], [sflag:$0x1] =	stream.indirect.gather [hbm4b:s3+s11], $0x20, s18, s11, $0xb8;
	[tilespmem:$0x6740] =	vst v63  }
0x26: {  	_ = 	snop  }
0x27: {  	[tilespmem:s21], [sflag:$0x2] =	stream.indirect.gather [hbm4b:s4+s11], $0x20, s20, s11, $0xb8;
	[tilespmem:$0x6740] =	vst v63  }
0x28: {  	_ = 	snop  }
0x29: {  	[tilespmem:s23], [sflag:$0x1] =	stream.indirect.gather [hbm4b:s3+s11], $0x20, s22, s11, $0xb8;
	[tilespmem:$0x6740] =	vst v63  }
0x2a: {  	_ = 	snop  }
0x2b: {  	[tilespmem:s25], [sflag:$0x2] =	stream.indirect.gather [hbm4b:s4+s11], $0x20, s24, s11, $0xb8;
	[tilespmem:$0x6740] =	vst v63  }
0x2c: {  	_ =	swait.ge [sflag:s26], $0xC80  }
0x2d: {  	[sflag:s26] =	ssyncset.done $0x0  }
0x2e: {  	[sflag:s26] =	ssyncadd.s32 $0xFFFFF380  }
0x2f: {  	_ =	swait.ge [sflag:s28], $0xC80  }
0x30: {  	[sflag:s28] =	ssyncset.done $0x0  }
0x31: {  	[sflag:s28] =	ssyncadd.s32 $0xFFFFF380  }
0x32: {  	_ =	swait.ge [sflag:s26], $0xC80  }
0x33: {  	[sflag:s26] =	ssyncset.done $0x0  }
0x34: {  	[sflag:s26] =	ssyncadd.s32 $0xFFFFF380  }
0x35: {  	_ =	swait.ge [sflag:s28], $0xC80  }
0x36: {  	[sflag:s28] =	ssyncset.done $0x0  }
0x37: {  	[sflag:s28] =	ssyncadd.s32 $0xFFFFF380  }
0x38: {  	_ =	swait.ge [sflag:s26], $0xC80  }
0x39: {  	[sflag:s26] =	ssyncset.done $0x0  }
0x3a: {  	[sflag:s26] =	ssyncadd.s32 $0xFFFFF380  }
0x3b: {  	_ =	swait.ge [sflag:s28], $0xC80  }
0x3c: {  	[sflag:s28] =	ssyncset.done $0x0  }
0x3d: {  	[sflag:s28] =	ssyncadd.s32 $0xFFFFF380  }
0x3e: {  	_ =	swait.ge [sflag:s26], $0xC80  }
0x3f: {  	[sflag:s26] =	ssyncset.done $0x0  }
0x40: {  	[sflag:s26] =	ssyncadd.s32 $0xFFFFF380  }
0x41: {  	_ =	swait.ge [sflag:s28], $0xC80  }
0x42: {  	[sflag:s28] =	ssyncset.done $0x0  }
0x43: {  	[sflag:s28] =	ssyncadd.s32 $0xFFFFF380  }
0x44: {  	[hbm4b:s8+s2] =	stream.linear.scatter [tilespmem:s12], [sflag:$0x3], $0x3200, $0x38;
	[tilespmem:$0x6740] =	vst v63  }
0x45: {  	_ =	swait.ge [sflag:s9], $0x3200  }
0x46: {  	[sflag:s9] =	ssyncset.done $0x0  }
0x47: {  	s30 =	rddreg [dreg:$0x5];
	[sflag:s9] =	ssyncadd.s32 $0xFFFFCE00  }
0x48: {  	[hbm4b:s30+s2] =	stream.linear.scatter [tilespmem:s13], [sflag:$0x3], $0x3200, $0x38;
	[tilespmem:$0x6740] =	vst v63  }
0x49: {  	s1 =	simm.s32 $0x68;
	s31 =	smov.u32 s8;
	_ =	swait.ge [sflag:s9], $0x3200  }
0x4a: {  	s0 =	simm.s32 $0x34;
	s5 =	rddreg [dreg:$0x3];
	[sflag:s9] =	ssyncset.done $0x0  }
.LBB2_2:
0x4b: {  	[sflag:s9] =	ssyncadd.s32 $0xFFFFCE00;
	s5 =	sadd.s32 s0, s5  }
0x4c: {  	[tilespmem:s2], [sflag:$0x3] =	stream.linear.gather [hbm4b:s5+s2], $0x1A0, $0x38;
	[tilespmem:$0x6740] =	vst v63  }
0x4d: {  	_ =	swait.ge [sflag:s9], $0x1A0  }
0x4e: {  	[sflag:s9] =	ssyncset.done $0x0  }
0x4f: {  	s5 =	sadd.s32 s0, s6;
	[sflag:s9] =	ssyncadd.s32 $0xFFFFFE60  }
0x50: {  	[tilespmem:s10], [sflag:$0x3] =	stream.linear.gather [hbm4b:s5+s2], $0x1A0, $0x38;
	[tilespmem:$0x6740] =	vst v63  }
0x51: {  	_ =	swait.ge [sflag:s9], $0x1A0  }
0x52: {  	[sflag:s9] =	ssyncset.done $0x0  }
0x53: {  	[sflag:s9] =	ssyncadd.s32 $0xFFFFFE60  }
0x54: {  	[tilespmem:s12], [sflag:$0x1] =	stream.indirect.gather [hbm4b:s3+s11], $0x20, s2, s11, $0xb8;
	[tilespmem:$0x6740] =	vst v63  }
0x55: {  	_ = 	snop  }
0x56: {  	[tilespmem:s13], [sflag:$0x2] =	stream.indirect.gather [hbm4b:s4+s11], $0x20, s10, s11, $0xb8;
	[tilespmem:$0x6740] =	vst v63  }
0x57: {  	_ = 	snop  }
0x58: {  	[tilespmem:s15], [sflag:$0x1] =	stream.indirect.gather [hbm4b:s3+s11], $0x20, s14, s11, $0xb8;
	[tilespmem:$0x6740] =	vst v63  }
0x59: {  	_ = 	snop  }
0x5a: {  	[tilespmem:s17], [sflag:$0x2] =	stream.indirect.gather [hbm4b:s4+s11], $0x20, s16, s11, $0xb8;
	[tilespmem:$0x6740] =	vst v63  }
0x5b: {  	_ = 	snop  }
0x5c: {  	[tilespmem:s19], [sflag:$0x1] =	stream.indirect.gather [hbm4b:s3+s11], $0x20, s18, s11, $0xb8;
	[tilespmem:$0x6740] =	vst v63  }
0x5d: {  	_ = 	snop  }
0x5e: {  	[tilespmem:s21], [sflag:$0x2] =	stream.indirect.gather [hbm4b:s4+s11], $0x20, s20, s11, $0xb8;
	[tilespmem:$0x6740] =	vst v63  }
0x5f: {  	_ = 	snop  }
0x60: {  	[tilespmem:s23], [sflag:$0x1] =	stream.indirect.gather [hbm4b:s3+s11], $0x20, s22, s11, $0xb8;
	[tilespmem:$0x6740] =	vst v63  }
0x61: {  	_ = 	snop  }
0x62: {  	[tilespmem:s25], [sflag:$0x2] =	stream.indirect.gather [hbm4b:s4+s11], $0x20, s24, s11, $0xb8;
	[tilespmem:$0x6740] =	vst v63  }
0x63: {  	_ =	swait.ge [sflag:s26], $0xC80  }
0x64: {  	[sflag:s26] =	ssyncset.done $0x0  }
0x65: {  	[sflag:s26] =	ssyncadd.s32 $0xFFFFF380  }
0x66: {  	_ =	swait.ge [sflag:s28], $0xC80  }
0x67: {  	[sflag:s28] =	ssyncset.done $0x0  }
0x68: {  	[sflag:s28] =	ssyncadd.s32 $0xFFFFF380  }
0x69: {  	_ =	swait.ge [sflag:s26], $0xC80  }
0x6a: {  	[sflag:s26] =	ssyncset.done $0x0  }
0x6b: {  	[sflag:s26] =	ssyncadd.s32 $0xFFFFF380  }
0x6c: {  	_ =	swait.ge [sflag:s28], $0xC80  }
0x6d: {  	[sflag:s28] =	ssyncset.done $0x0  }
0x6e: {  	[sflag:s28] =	ssyncadd.s32 $0xFFFFF380  }
0x6f: {  	_ =	swait.ge [sflag:s26], $0xC80  }
0x70: {  	[sflag:s26] =	ssyncset.done $0x0  }
0x71: {  	[sflag:s26] =	ssyncadd.s32 $0xFFFFF380  }
0x72: {  	_ =	swait.ge [sflag:s28], $0xC80  }
0x73: {  	[sflag:s28] =	ssyncset.done $0x0  }
0x74: {  	[sflag:s28] =	ssyncadd.s32 $0xFFFFF380  }
0x75: {  	_ =	swait.ge [sflag:s26], $0xC80  }
0x76: {  	[sflag:s26] =	ssyncset.done $0x0  }
0x77: {  	[sflag:s26] =	ssyncadd.s32 $0xFFFFF380  }
0x78: {  	_ =	swait.ge [sflag:s28], $0xC80  }
0x79: {  	[sflag:s28] =	ssyncset.done $0x0  }
0x7a: {  	s31 =	sadd.s32 $0x640, s31;
	[sflag:s28] =	ssyncadd.s32 $0xFFFFF380  }
0x7b: {  	[hbm4b:s31+s2] =	stream.linear.scatter [tilespmem:s12], [sflag:$0x3], $0x3200, $0x38;
	[tilespmem:$0x6740] =	vst v63  }
0x7c: {  	p0 =	sne.s32 s1, $0x4E0;
	_ =	swait.ge [sflag:s9], $0x3200  }
.Ltmp0:
0x7d: {  	[sflag:s9] =	ssyncset.done $0x0;
	(pc) =	sbr.rel @p0 .LBB2_2-.Ltmp0, $4  }
0x7e: {  	s30 =	sadd.s32 $0x640, s30;
	[sflag:s9] =	ssyncadd.s32 $0xFFFFCE00  }
0x7f: {  	[hbm4b:s30+s2] =	stream.linear.scatter [tilespmem:s13], [sflag:$0x3], $0x3200, $0x38;
	[tilespmem:$0x6740] =	vst v63  }
0x80: {  	s7 =	smov.u32 s1;
	s1 =	sadd.s32 $0x34, s1;
	_ =	swait.ge [sflag:s9], $0x3200  }
0x81: {  	s0 =	smov.u32 s7;
	s5 =	rddreg [dreg:$0x3];
	[sflag:s9] =	ssyncset.done $0x0  }
0x82: {  	[sflag:s9] =	ssyncadd.s32 $0xFFFFCE00;
	s1 =	sadd.s32 s0, s5  }
0x83: {  	[tilespmem:s2], [sflag:$0x3] =	stream.linear.gather [hbm4b:s1+s2], $0x1A0, $0x38;
	[tilespmem:$0x6740] =	vst v63  }
0x84: {  	_ =	swait.ge [sflag:s9], $0x1A0  }
0x85: {  	[sflag:s9] =	ssyncset.done $0x0  }
0x86: {  	s5 =	sadd.s32 s0, s6;
	[sflag:s9] =	ssyncadd.s32 $0xFFFFFE60  }
0x87: {  	[tilespmem:s10], [sflag:$0x3] =	stream.linear.gather [hbm4b:s5+s2], $0x1A0, $0x38;
	[tilespmem:$0x6740] =	vst v63  }
0x88: {  	_ =	swait.ge [sflag:s9], $0x1A0  }
0x89: {  	[sflag:s9] =	ssyncset.done $0x0  }
0x8a: {  	[sflag:s9] =	ssyncadd.s32 $0xFFFFFE60  }
0x8b: {  	[tilespmem:s12], [sflag:$0x1] =	stream.indirect.gather [hbm4b:s3+s11], $0x20, s2, s11, $0xb8;
	[tilespmem:$0x6740] =	vst v63  }
0x8c: {  	_ = 	snop  }
0x8d: {  	[tilespmem:s13], [sflag:$0x2] =	stream.indirect.gather [hbm4b:s4+s11], $0x20, s10, s11, $0xb8;
	[tilespmem:$0x6740] =	vst v63  }
0x8e: {  	_ = 	snop  }
0x8f: {  	[tilespmem:s15], [sflag:$0x1] =	stream.indirect.gather [hbm4b:s3+s11], $0x20, s14, s11, $0xb8;
	[tilespmem:$0x6740] =	vst v63  }
0x90: {  	_ = 	snop  }
0x91: {  	[tilespmem:s17], [sflag:$0x2] =	stream.indirect.gather [hbm4b:s4+s11], $0x20, s16, s11, $0xb8;
	[tilespmem:$0x6740] =	vst v63  }
0x92: {  	_ = 	snop  }
0x93: {  	[tilespmem:s19], [sflag:$0x1] =	stream.indirect.gather [hbm4b:s3+s11], $0x20, s18, s11, $0xb8;
	[tilespmem:$0x6740] =	vst v63  }
0x94: {  	_ = 	snop  }
0x95: {  	[tilespmem:s21], [sflag:$0x2] =	stream.indirect.gather [hbm4b:s4+s11], $0x20, s20, s11, $0xb8;
	[tilespmem:$0x6740] =	vst v63  }
0x96: {  	_ = 	snop  }
0x97: {  	[tilespmem:s23], [sflag:$0x1] =	stream.indirect.gather [hbm4b:s3+s11], $0x20, s22, s11, $0xb8;
	[tilespmem:$0x6740] =	vst v63  }
0x98: {  	_ = 	snop  }
0x99: {  	[tilespmem:s25], [sflag:$0x2] =	stream.indirect.gather [hbm4b:s4+s11], $0x20, s24, s11, $0xb8;
	[tilespmem:$0x6740] =	vst v63  }
0x9a: {  	_ =	swait.ge [sflag:s26], $0xC80  }
0x9b: {  	[sflag:s26] =	ssyncset.done $0x0  }
0x9c: {  	[sflag:s26] =	ssyncadd.s32 $0xFFFFF380  }
0x9d: {  	_ =	swait.ge [sflag:s28], $0xC80  }
0x9e: {  	[sflag:s28] =	ssyncset.done $0x0  }
0x9f: {  	[sflag:s28] =	ssyncadd.s32 $0xFFFFF380  }
0xa0: {  	_ =	swait.ge [sflag:s26], $0xC80  }
0xa1: {  	[sflag:s26] =	ssyncset.done $0x0  }
0xa2: {  	[sflag:s26] =	ssyncadd.s32 $0xFFFFF380  }
0xa3: {  	_ =	swait.ge [sflag:s28], $0xC80  }
0xa4: {  	[sflag:s28] =	ssyncset.done $0x0  }
0xa5: {  	[sflag:s28] =	ssyncadd.s32 $0xFFFFF380  }
0xa6: {  	_ =	swait.ge [sflag:s26], $0xC80  }
0xa7: {  	[sflag:s26] =	ssyncset.done $0x0  }
0xa8: {  	[sflag:s26] =	ssyncadd.s32 $0xFFFFF380  }
0xa9: {  	_ =	swait.ge [sflag:s28], $0xC80  }
0xaa: {  	[sflag:s28] =	ssyncset.done $0x0  }
0xab: {  	[sflag:s28] =	ssyncadd.s32 $0xFFFFF380  }
0xac: {  	_ =	swait.ge [sflag:s26], $0xC80  }
0xad: {  	[sflag:s26] =	ssyncset.done $0x0  }
0xae: {  	[sflag:s26] =	ssyncadd.s32 $0xFFFFF380  }
0xaf: {  	_ =	swait.ge [sflag:s28], $0xC80  }
0xb0: {  	[sflag:s28] =	ssyncset.done $0x0  }
0xb1: {  	s7 =	sadd.s32 $0x640, s31;
	[sflag:s28] =	ssyncadd.s32 $0xFFFFF380  }
0xb2: {  	[hbm4b:s7+s2] =	stream.linear.scatter [tilespmem:s12], [sflag:$0x3], $0x3200, $0x38;
	[tilespmem:$0x6740] =	vst v63  }
0xb3: {  	_ =	swait.ge [sflag:s9], $0x3200  }
0xb4: {  	[sflag:s9] =	ssyncset.done $0x0  }
0xb5: {  	s30 =	sadd.s32 $0x640, s30;
	[sflag:s9] =	ssyncadd.s32 $0xFFFFCE00  }
0xb6: {  	[hbm4b:s30+s2] =	stream.linear.scatter [tilespmem:s13], [sflag:$0x3], $0x3200, $0x38;
	[tilespmem:$0x6740] =	vst v63  }
0xb7: {  	_ =	swait.ge [sflag:s9], $0x3200  }
0xb8: {  	s29 =	sadd.s32 $0x1, s29;
	s31 =	rddreg [dreg:$0x4]  }
0xb9: {  	p0 =	sne.s32 s29, s31  }
.Ltmp1:
0xba: {  	_ = 	snop;
	(pc) =	sbr.rel @p0 .LBB2_1-.Ltmp1, $3  }
0xbb: {  	_ =	sdelay $0x1  }
0xbc: {  	[sflag:s9] =	ssyncset.done $0x0  }
0xbd: {  	[sflag:s9] =	ssyncadd.s32 $0xFFFFCE00  }
0xbe: {  	_ =	sfence.sel $0x180000  }
0xbf: {  	[bflag:$0x0] =	sbarrier.arrive $0xFFFF  }
0xc0: {  	_ =	strace $0x90000047  }
0xc1: {  	s0 =	stileid.u32;
	[bflag:$0x2] =	sbarrier.arrive $0xFFFF  }
0xc2: {  	p0 =	sne.s32 s0, $0x0;
	s0 =	rddreg [dreg:$0x2]  }
0xc3: {  	s0 =	sadd.s32 @!p0 $0x100000, s0  }
0xc4: {  	[sflag:s0] =	ssyncadd.tile.s32 @!p0 $0x1;
	_ =	shalt  }
.Lfunc_end2:
_tile_overlayer_lowered:
.L_overlay_start_2:
0xc5: {  	(tag) =	ssettag $0x2  }
0xc6: {  	s0 =	rddreg [dreg:$0x0];
	s2 =	stileid.u32  }
0xc7: {  	s1 =	rddreg [dreg:$0x1];
	p0 =	sne.s32 s2, $0x0  }
0xc8: {  	s3 =	rddreg [dreg:$0x2];
	[bflag:$0x3] =	sbarrier.arrive $0xFFFF;
	s2 =	simm.s32 @!p0 $0x1C03  }
0xc9: {  	[timem:s3], [sflag:s2] =	dma.local @!p0 [hbm:s0], s1  }
0xca: {  	s0 =	simm.s32 @!p0 $0x3  }
0xcb: {  	_ =	swait.ge @!p0 [sflag:s0], s1  }
0xcc: {  	s1 =	ssub.s32 @!p0 $0x0, s1;
	[sflag:s0] =	ssyncset.done @!p0 $0x0  }
0xcd: {  	[sflag:s0] =	ssyncadd.s32 @!p0 s1  }
0xce: {  	[bflag:$0x3] =	sbarrier.arrive $0xFFFF  }
0xcf: {  	_ =	shalt  }

</sc_bundles>
